<compile_context>
chip_gen: v7x
topology: tpu7x:2x2x1
jax: 0.10.2.dev20260603
libtpu: 0.0.44.dev20260713+nightly
codegen_flags: <defaults>
</compile_context>

<pallas_src>
import functools

import jax
import jax.numpy as jnp
from jax import lax
from jax.experimental import pallas as pl
from jax.experimental.pallas import tpu as pltpu
from jax.experimental.pallas import tpu_sc as plsc

DIM = 64
B = 16384
L = 50
BL = B * L
NC, NS = 2, 16
NW = NC * NS
RPW = BL // NW
SUB = 128
CHUNK = 1280
NSUB = CHUNK // SUB
NCH = RPW // CHUNK

_sc_mesh = plsc.VectorSubcoreMesh(core_axis_name="c", subcore_axis_name="s")


@functools.partial(
    pl.kernel,
    out_type=jax.ShapeDtypeStruct((2 * BL, DIM), jnp.float32),
    mesh=_sc_mesh,
    scratch_types=[
        pltpu.VMEM((CHUNK,), jnp.int32),
        pltpu.VMEM((CHUNK, DIM), jnp.float32),
        pltpu.SemaphoreType.DMA,
    ],
    compiler_params=pltpu.CompilerParams(use_tc_tiling_on_sc=False),
)
def _sc_gather(semb, temb, xidx, yidx, out, idx_v, rows_v, sem):
    wid = lax.axis_index("s") * NC + lax.axis_index("c")
    base = wid * RPW

    def do_side(table, idx_hbm, out_base):
        def chunk_body(c, carry):
            off = base + c * CHUNK
            pltpu.sync_copy(idx_hbm.at[pl.ds(off, CHUNK)], idx_v)
            descs = []
            for j in range(NSUB):
                descs.append(
                    pltpu.async_copy(
                        table.at[idx_v.at[pl.ds(j * SUB, SUB)]],
                        rows_v.at[pl.ds(j * SUB, SUB)],
                        sem,
                    )
                )
            for d in descs:
                d.wait()
            pltpu.sync_copy(rows_v, out.at[pl.ds(out_base + off, CHUNK)])
            return carry

        lax.fori_loop(0, NCH, chunk_body, 0)

    do_side(semb, xidx, 0)
    do_side(temb, yidx, BL)


_MM_ROWS = 12800


def _mm_body(x_ref, w_ref, o_ref):
    o_ref[...] = lax.dot_general(
        x_ref[...], w_ref[...], (((1,), (0,)), ((), ())),
        preferred_element_type=jnp.float32,
    )


def _project(gathered2, w2):
    return pl.pallas_call(
        _mm_body,
        grid=(BL // _MM_ROWS,),
        in_specs=[
            pl.BlockSpec((_MM_ROWS, 2 * DIM), lambda i: (i, 0)),
            pl.BlockSpec((2 * DIM, 2 * DIM), lambda i: (0, 0)),
        ],
        out_specs=pl.BlockSpec((_MM_ROWS, 2 * DIM), lambda i: (i, 0)),
        out_shape=jax.ShapeDtypeStruct((BL, 2 * DIM), jnp.float32),
    )(gathered2, w2)


def kernel(W_m, semb_table, temb_table, x_idx, y_idx):
    xr = x_idx.astype(jnp.int32).reshape(BL)
    yr = y_idx.astype(jnp.int32).reshape(BL)
    gathered = _sc_gather(semb_table, temb_table, xr, yr)
    wt = W_m.T
    z = jnp.zeros((DIM, DIM), jnp.float32)
    w2 = jnp.block([[wt, z], [z, wt]])
    proj = _project(gathered.reshape(BL, 2 * DIM), w2)
    return proj.reshape(2, B, L, DIM)

# --- scband reference (transcript-rebuilt; emitter-appended) ---
"""Pipeline reference for scband-aspect-muse-10934986735794 (READ-ONLY COPY).

The authoritative reference and input builder live on the scoring server;
editing this copy changes nothing except your own understanding.
"""

import jax, jax.numpy as jnp
import numpy as np

SRC_VOCAB = 1000000
TRG_VOCAB = 1000000
DIM = 64
B = 16384
L = 50

def setup_inputs(seed: int = 0) -> dict:
    key = jax.random.key(seed)
    k1, k2, k3, k4, k5 = jax.random.split(key, 5)
    x_idx = jax.random.randint(k1, (B, L), 0, SRC_VOCAB, dtype=jnp.int64 if jax.config.jax_enable_x64 else jnp.int32)
    y_idx = jax.random.randint(k2, (B, L), 0, TRG_VOCAB, dtype=jnp.int64 if jax.config.jax_enable_x64 else jnp.int32)
    semb_table = jax.random.normal(k3, (SRC_VOCAB, DIM), dtype=jnp.float32) * 0.02
    temb_table = jax.random.normal(k4, (TRG_VOCAB, DIM), dtype=jnp.float32) * 0.02
    W_m = jax.random.normal(k5, (DIM, DIM), dtype=jnp.float32) * (1.0 / np.sqrt(DIM))
    return {"W_m": W_m, "semb_table": semb_table, "temb_table": temb_table, "x_idx": x_idx, "y_idx": y_idx}

def reference(W_m, semb_table, temb_table, x_idx, y_idx):
    # project(): embedding lookup on frozen tables, then shared linear projection m (no bias)
    x_embedd = jnp.take(semb_table, x_idx, axis=0)  # [B, L, DIM]
    y_embedd = jnp.take(temb_table, y_idx, axis=0)  # [B, L, DIM]
    x_proj = jnp.einsum('bld,ed->ble', x_embedd, W_m)
    y_proj = jnp.einsum('bld,ed->ble', y_embedd, W_m)
    return jnp.stack([x_proj, y_proj], axis=0)  # [2, B, L, DIM]

if __name__ == "__main__":
    import jax
    _d = setup_inputs()
    print(jax.jit(kernel)(*tuple(_d.values())))

</pallas_src>

<mosaic_0001>
#map = affine_map<(d0, d1) -> (0, 0)>
#map1 = affine_map<(d0, d1) -> (0)>
module attributes {stable_mosaic.version = 14 : i64} {
  func.func @_sc_gather(%arg0: i32, %arg1: i32, %arg2: memref<1000000x64xf32, #tpu.memory_space<hbm>>, %arg3: memref<1000000x64xf32, #tpu.memory_space<hbm>>, %arg4: memref<819200xi32, #tpu.memory_space<hbm>>, %arg5: memref<819200xi32, #tpu.memory_space<hbm>>, %arg6: memref<1638400x64xf32, #tpu.memory_space<hbm>>, %arg7: memref<1280xi32, #tpu.memory_space<vmem>>, %arg8: memref<1280x64xf32, #tpu.memory_space<vmem>>, %arg9: memref<!tpu.dma_semaphore, #tpu.memory_space<semaphore_mem>>) attributes {dimension_semantics = [#tpu.dimension_semantics<core_parallel>, #tpu.dimension_semantics<subcore_parallel>], iteration_bounds = array<i64: 2, 16>, scalar_prefetch = 0 : i64, scratch_operands = 3 : i64, tpu.core_type = #tpu.core_type<sc_vector_subcore>, window_params = [{transform_indices = #map}, {transform_indices = #map}, {transform_indices = #map1}, {transform_indices = #map1}, {transform_indices = #map}]} {
    %mul3A = arith.constant 2 : i32
    %mul3A_0 = arith.muli %arg1, %mul3A : i32
    %add3A = arith.addi %mul3A_0, %arg0 : i32
    %mul3A_1 = arith.constant 25600 : i32
    %mul3A_2 = arith.muli %add3A, %mul3A_1 : i32
    %scan3A = arith.constant 0 : i32
    %scan3A_3 = arith.constant 0 : i32
    %scan3A_4 = arith.constant 20 : i32
    %scan3A_5 = arith.addi %scan3A_3, %scan3A_4 : i32
    %scan3A_6 = arith.constant 1 : i32
    scf.for %scan3A_14 = %scan3A_3 to %scan3A_5 step %scan3A_6  : i32 {
      %mul3A_15 = arith.constant 1280 : i32
      %mul3A_16 = arith.muli %scan3A_14, %mul3A_15 : i32
      %add3A_17 = arith.addi %mul3A_2, %mul3A_16 : i32
      "tpu.region"() ({
        %run_scoped3A = tpu.sem_alloc : memref<!tpu.dma_semaphore, #tpu.memory_space<semaphore_mem>>
        %dma_start3A_178 = tpu.memref_slice %arg4[%add3A_17] : memref<819200xi32, #tpu.memory_space<hbm>> -> memref<1280xi32, #tpu.memory_space<hbm>>
        %dma_start3A_179 = tpu.memref_slice %arg4[%add3A_17] : memref<819200xi32, #tpu.memory_space<hbm>> -> memref<1280xi32, #tpu.memory_space<hbm>>
        tpu.enqueue_dma source(%dma_start3A_179 : memref<1280xi32, #tpu.memory_space<hbm>>) target(%arg7 : memref<1280xi32, #tpu.memory_space<vmem>>) target_semaphore(%run_scoped3A : memref<!tpu.dma_semaphore, #tpu.memory_space<semaphore_mem>>)
        %dma_wait3A_180 = tpu.memref_slice %arg4[%add3A_17] : memref<819200xi32, #tpu.memory_space<hbm>> -> memref<1280xi32, #tpu.memory_space<hbm>>
        %dma_wait3A_181 = tpu.memref_slice %arg4[%add3A_17] : memref<819200xi32, #tpu.memory_space<hbm>> -> memref<1280xi32, #tpu.memory_space<hbm>>
        tpu.wait_dma2 semaphore(%run_scoped3A : memref<!tpu.dma_semaphore, #tpu.memory_space<semaphore_mem>>) src(%dma_wait3A_181 : memref<1280xi32, #tpu.memory_space<hbm>>) dst(%arg7 : memref<1280xi32, #tpu.memory_space<vmem>>)
        tpu.yield
      }) : () -> ()
      %dma_start3A = arith.constant 0 : i32
      %dma_start3A_18 = arith.constant 0 : i32
      %dma_start3A_19 = tpu.memref_slice %arg8[%dma_start3A, %dma_start3A_18] : memref<1280x64xf32, #tpu.memory_space<vmem>> -> memref<128x64xf32, #tpu.memory_space<vmem>>
      %dma_start3A_20 = arith.constant 0 : i32
      %dma_start3A_21 = tpu.memref_slice %arg7[%dma_start3A_20] : memref<1280xi32, #tpu.memory_space<vmem>> -> memref<128xi32, #tpu.memory_space<vmem>>
      %dma_start3A_22 = arith.constant 0 : i32
      %dma_start3A_23 = arith.constant 0 : i32
      %dma_start3A_24 = tpu.memref_slice %arg2[%dma_start3A_22, %dma_start3A_23] : memref<1000000x64xf32, #tpu.memory_space<hbm>> -> memref<1000000x64xf32, #tpu.memory_space<hbm>>
      tpu.enqueue_indirect_dma source(%dma_start3A_24 : memref<1000000x64xf32, #tpu.memory_space<hbm>>) target(%dma_start3A_19 : memref<128x64xf32, #tpu.memory_space<vmem>>) offsets(%dma_start3A_21 : memref<128xi32, #tpu.memory_space<vmem>>) semaphore(%arg9 : memref<!tpu.dma_semaphore, #tpu.memory_space<semaphore_mem>>)
      %dma_start3A_25 = arith.constant 128 : i32
      %dma_start3A_26 = arith.constant 0 : i32
      %dma_start3A_27 = tpu.memref_slice %arg8[%dma_start3A_25, %dma_start3A_26] : memref<1280x64xf32, #tpu.memory_space<vmem>> -> memref<128x64xf32, #tpu.memory_space<vmem>>
      %dma_start3A_28 = arith.constant 128 : i32
      %dma_start3A_29 = tpu.memref_slice %arg7[%dma_start3A_28] : memref<1280xi32, #tpu.memory_space<vmem>> -> memref<128xi32, #tpu.memory_space<vmem>>
      %dma_start3A_30 = arith.constant 0 : i32
      %dma_start3A_31 = arith.constant 0 : i32
      %dma_start3A_32 = tpu.memref_slice %arg2[%dma_start3A_30, %dma_start3A_31] : memref<1000000x64xf32, #tpu.memory_space<hbm>> -> memref<1000000x64xf32, #tpu.memory_space<hbm>>
      tpu.enqueue_indirect_dma source(%dma_start3A_32 : memref<1000000x64xf32, #tpu.memory_space<hbm>>) target(%dma_start3A_27 : memref<128x64xf32, #tpu.memory_space<vmem>>) offsets(%dma_start3A_29 : memref<128xi32, #tpu.memory_space<vmem>>) semaphore(%arg9 : memref<!tpu.dma_semaphore, #tpu.memory_space<semaphore_mem>>)
      %dma_start3A_33 = arith.constant 256 : i32
      %dma_start3A_34 = arith.constant 0 : i32
      %dma_start3A_35 = tpu.memref_slice %arg8[%dma_start3A_33, %dma_start3A_34] : memref<1280x64xf32, #tpu.memory_space<vmem>> -> memref<128x64xf32, #tpu.memory_space<vmem>>
      %dma_start3A_36 = arith.constant 256 : i32
      %dma_start3A_37 = tpu.memref_slice %arg7[%dma_start3A_36] : memref<1280xi32, #tpu.memory_space<vmem>> -> memref<128xi32, #tpu.memory_space<vmem>>
      %dma_start3A_38 = arith.constant 0 : i32
      %dma_start3A_39 = arith.constant 0 : i32
      %dma_start3A_40 = tpu.memref_slice %arg2[%dma_start3A_38, %dma_start3A_39] : memref<1000000x64xf32, #tpu.memory_space<hbm>> -> memref<1000000x64xf32, #tpu.memory_space<hbm>>
      tpu.enqueue_indirect_dma source(%dma_start3A_40 : memref<1000000x64xf32, #tpu.memory_space<hbm>>) target(%dma_start3A_35 : memref<128x64xf32, #tpu.memory_space<vmem>>) offsets(%dma_start3A_37 : memref<128xi32, #tpu.memory_space<vmem>>) semaphore(%arg9 : memref<!tpu.dma_semaphore, #tpu.memory_space<semaphore_mem>>)
      %dma_start3A_41 = arith.constant 384 : i32
      %dma_start3A_42 = arith.constant 0 : i32
      %dma_start3A_43 = tpu.memref_slice %arg8[%dma_start3A_41, %dma_start3A_42] : memref<1280x64xf32, #tpu.memory_space<vmem>> -> memref<128x64xf32, #tpu.memory_space<vmem>>
      %dma_start3A_44 = arith.constant 384 : i32
      %dma_start3A_45 = tpu.memref_slice %arg7[%dma_start3A_44] : memref<1280xi32, #tpu.memory_space<vmem>> -> memref<128xi32, #tpu.memory_space<vmem>>
      %dma_start3A_46 = arith.constant 0 : i32
      %dma_start3A_47 = arith.constant 0 : i32
      %dma_start3A_48 = tpu.memref_slice %arg2[%dma_start3A_46, %dma_start3A_47] : memref<1000000x64xf32, #tpu.memory_space<hbm>> -> memref<1000000x64xf32, #tpu.memory_space<hbm>>
      tpu.enqueue_indirect_dma source(%dma_start3A_48 : memref<1000000x64xf32, #tpu.memory_space<hbm>>) target(%dma_start3A_43 : memref<128x64xf32, #tpu.memory_space<vmem>>) offsets(%dma_start3A_45 : memref<128xi32, #tpu.memory_space<vmem>>) semaphore(%arg9 : memref<!tpu.dma_semaphore, #tpu.memory_space<semaphore_mem>>)
      %dma_start3A_49 = arith.constant 512 : i32
      %dma_start3A_50 = arith.constant 0 : i32
      %dma_start3A_51 = tpu.memref_slice %arg8[%dma_start3A_49, %dma_start3A_50] : memref<1280x64xf32, #tpu.memory_space<vmem>> -> memref<128x64xf32, #tpu.memory_space<vmem>>
      %dma_start3A_52 = arith.constant 512 : i32
      %dma_start3A_53 = tpu.memref_slice %arg7[%dma_start3A_52] : memref<1280xi32, #tpu.memory_space<vmem>> -> memref<128xi32, #tpu.memory_space<vmem>>
      %dma_start3A_54 = arith.constant 0 : i32
      %dma_start3A_55 = arith.constant 0 : i32
      %dma_start3A_56 = tpu.memref_slice %arg2[%dma_start3A_54, %dma_start3A_55] : memref<1000000x64xf32, #tpu.memory_space<hbm>> -> memref<1000000x64xf32, #tpu.memory_space<hbm>>
      tpu.enqueue_indirect_dma source(%dma_start3A_56 : memref<1000000x64xf32, #tpu.memory_space<hbm>>) target(%dma_start3A_51 : memref<128x64xf32, #tpu.memory_space<vmem>>) offsets(%dma_start3A_53 : memref<128xi32, #tpu.memory_space<vmem>>) semaphore(%arg9 : memref<!tpu.dma_semaphore, #tpu.memory_space<semaphore_mem>>)
      %dma_start3A_57 = arith.constant 640 : i32
      %dma_start3A_58 = arith.constant 0 : i32
      %dma_start3A_59 = tpu.memref_slice %arg8[%dma_start3A_57, %dma_start3A_58] : memref<1280x64xf32, #tpu.memory_space<vmem>> -> memref<128x64xf32, #tpu.memory_space<vmem>>
      %dma_start3A_60 = arith.constant 640 : i32
      %dma_start3A_61 = tpu.memref_slice %arg7[%dma_start3A_60] : memref<1280xi32, #tpu.memory_space<vmem>> -> memref<128xi32, #tpu.memory_space<vmem>>
      %dma_start3A_62 = arith.constant 0 : i32
      %dma_start3A_63 = arith.constant 0 : i32
      %dma_start3A_64 = tpu.memref_slice %arg2[%dma_start3A_62, %dma_start3A_63] : memref<1000000x64xf32, #tpu.memory_space<hbm>> -> memref<1000000x64xf32, #tpu.memory_space<hbm>>
      tpu.enqueue_indirect_dma source(%dma_start3A_64 : memref<1000000x64xf32, #tpu.memory_space<hbm>>) target(%dma_start3A_59 : memref<128x64xf32, #tpu.memory_space<vmem>>) offsets(%dma_start3A_61 : memref<128xi32, #tpu.memory_space<vmem>>) semaphore(%arg9 : memref<!tpu.dma_semaphore, #tpu.memory_space<semaphore_mem>>)
      %dma_start3A_65 = arith.constant 768 : i32
      %dma_start3A_66 = arith.constant 0 : i32
      %dma_start3A_67 = tpu.memref_slice %arg8[%dma_start3A_65, %dma_start3A_66] : memref<1280x64xf32, #tpu.memory_space<vmem>> -> memref<128x64xf32, #tpu.memory_space<vmem>>
      %dma_start3A_68 = arith.constant 768 : i32
      %dma_start3A_69 = tpu.memref_slice %arg7[%dma_start3A_68] : memref<1280xi32, #tpu.memory_space<vmem>> -> memref<128xi32, #tpu.memory_space<vmem>>
      %dma_start3A_70 = arith.constant 0 : i32
      %dma_start3A_71 = arith.constant 0 : i32
      %dma_start3A_72 = tpu.memref_slice %arg2[%dma_start3A_70, %dma_start3A_71] : memref<1000000x64xf32, #tpu.memory_space<hbm>> -> memref<1000000x64xf32, #tpu.memory_space<hbm>>
      tpu.enqueue_indirect_dma source(%dma_start3A_72 : memref<1000000x64xf32, #tpu.memory_space<hbm>>) target(%dma_start3A_67 : memref<128x64xf32, #tpu.memory_space<vmem>>) offsets(%dma_start3A_69 : memref<128xi32, #tpu.memory_space<vmem>>) semaphore(%arg9 : memref<!tpu.dma_semaphore, #tpu.memory_space<semaphore_mem>>)
      %dma_start3A_73 = arith.constant 896 : i32
      %dma_start3A_74 = arith.constant 0 : i32
      %dma_start3A_75 = tpu.memref_slice %arg8[%dma_start3A_73, %dma_start3A_74] : memref<1280x64xf32, #tpu.memory_space<vmem>> -> memref<128x64xf32, #tpu.memory_space<vmem>>
      %dma_start3A_76 = arith.constant 896 : i32
      %dma_start3A_77 = tpu.memref_slice %arg7[%dma_start3A_76] : memref<1280xi32, #tpu.memory_space<vmem>> -> memref<128xi32, #tpu.memory_space<vmem>>
      %dma_start3A_78 = arith.constant 0 : i32
      %dma_start3A_79 = arith.constant 0 : i32
      %dma_start3A_80 = tpu.memref_slice %arg2[%dma_start3A_78, %dma_start3A_79] : memref<1000000x64xf32, #tpu.memory_space<hbm>> -> memref<1000000x64xf32, #tpu.memory_space<hbm>>
      tpu.enqueue_indirect_dma source(%dma_start3A_80 : memref<1000000x64xf32, #tpu.memory_space<hbm>>) target(%dma_start3A_75 : memref<128x64xf32, #tpu.memory_space<vmem>>) offsets(%dma_start3A_77 : memref<128xi32, #tpu.memory_space<vmem>>) semaphore(%arg9 : memref<!tpu.dma_semaphore, #tpu.memory_space<semaphore_mem>>)
      %dma_start3A_81 = arith.constant 1024 : i32
      %dma_start3A_82 = arith.constant 0 : i32
      %dma_start3A_83 = tpu.memref_slice %arg8[%dma_start3A_81, %dma_start3A_82] : memref<1280x64xf32, #tpu.memory_space<vmem>> -> memref<128x64xf32, #tpu.memory_space<vmem>>
      %dma_start3A_84 = arith.constant 1024 : i32
      %dma_start3A_85 = tpu.memref_slice %arg7[%dma_start3A_84] : memref<1280xi32, #tpu.memory_space<vmem>> -> memref<128xi32, #tpu.memory_space<vmem>>
      %dma_start3A_86 = arith.constant 0 : i32
      %dma_start3A_87 = arith.constant 0 : i32
      %dma_start3A_88 = tpu.memref_slice %arg2[%dma_start3A_86, %dma_start3A_87] : memref<1000000x64xf32, #tpu.memory_space<hbm>> -> memref<1000000x64xf32, #tpu.memory_space<hbm>>
      tpu.enqueue_indirect_dma source(%dma_start3A_88 : memref<1000000x64xf32, #tpu.memory_space<hbm>>) target(%dma_start3A_83 : memref<128x64xf32, #tpu.memory_space<vmem>>) offsets(%dma_start3A_85 : memref<128xi32, #tpu.memory_space<vmem>>) semaphore(%arg9 : memref<!tpu.dma_semaphore, #tpu.memory_space<semaphore_mem>>)
      %dma_start3A_89 = arith.constant 1152 : i32
      %dma_start3A_90 = arith.constant 0 : i32
      %dma_start3A_91 = tpu.memref_slice %arg8[%dma_start3A_89, %dma_start3A_90] : memref<1280x64xf32, #tpu.memory_space<vmem>> -> memref<128x64xf32, #tpu.memory_space<vmem>>
      %dma_start3A_92 = arith.constant 1152 : i32
      %dma_start3A_93 = tpu.memref_slice %arg7[%dma_start3A_92] : memref<1280xi32, #tpu.memory_space<vmem>> -> memref<128xi32, #tpu.memory_space<vmem>>
      %dma_start3A_94 = arith.constant 0 : i32
      %dma_start3A_95 = arith.constant 0 : i32
      %dma_start3A_96 = tpu.memref_slice %arg2[%dma_start3A_94, %dma_start3A_95] : memref<1000000x64xf32, #tpu.memory_space<hbm>> -> memref<1000000x64xf32, #tpu.memory_space<hbm>>
      tpu.enqueue_indirect_dma source(%dma_start3A_96 : memref<1000000x64xf32, #tpu.memory_space<hbm>>) target(%dma_start3A_91 : memref<128x64xf32, #tpu.memory_space<vmem>>) offsets(%dma_start3A_93 : memref<128xi32, #tpu.memory_space<vmem>>) semaphore(%arg9 : memref<!tpu.dma_semaphore, #tpu.memory_space<semaphore_mem>>)
      %dma_wait3A = arith.constant 0 : i32
      %dma_wait3A_97 = arith.constant 0 : i32
      %dma_wait3A_98 = tpu.memref_slice %arg8[%dma_wait3A, %dma_wait3A_97] : memref<1280x64xf32, #tpu.memory_space<vmem>> -> memref<128x64xf32, #tpu.memory_space<vmem>>
      %dma_wait3A_99 = arith.constant 0 : i32
      %dma_wait3A_100 = tpu.memref_slice %arg7[%dma_wait3A_99] : memref<1280xi32, #tpu.memory_space<vmem>> -> memref<128xi32, #tpu.memory_space<vmem>>
      %dma_wait3A_101 = arith.constant 0 : i32
      %dma_wait3A_102 = arith.constant 0 : i32
      %dma_wait3A_103 = tpu.memref_slice %arg2[%dma_wait3A_101, %dma_wait3A_102] : memref<1000000x64xf32, #tpu.memory_space<hbm>> -> memref<1000000x64xf32, #tpu.memory_space<hbm>>
      tpu.wait_indirect_dma semaphore(%arg9 : memref<!tpu.dma_semaphore, #tpu.memory_space<semaphore_mem>>) src(%dma_wait3A_103 : memref<1000000x64xf32, #tpu.memory_space<hbm>>) dst(%dma_wait3A_98 : memref<128x64xf32, #tpu.memory_space<vmem>>)
      %dma_wait3A_104 = arith.constant 128 : i32
      %dma_wait3A_105 = arith.constant 0 : i32
      %dma_wait3A_106 = tpu.memref_slice %arg8[%dma_wait3A_104, %dma_wait3A_105] : memref<1280x64xf32, #tpu.memory_space<vmem>> -> memref<128x64xf32, #tpu.memory_space<vmem>>
      %dma_wait3A_107 = arith.constant 128 : i32
      %dma_wait3A_108 = tpu.memref_slice %arg7[%dma_wait3A_107] : memref<1280xi32, #tpu.memory_space<vmem>> -> memref<128xi32, #tpu.memory_space<vmem>>
      %dma_wait3A_109 = arith.constant 0 : i32
      %dma_wait3A_110 = arith.constant 0 : i32
      %dma_wait3A_111 = tpu.memref_slice %arg2[%dma_wait3A_109, %dma_wait3A_110] : memref<1000000x64xf32, #tpu.memory_space<hbm>> -> memref<1000000x64xf32, #tpu.memory_space<hbm>>
      tpu.wait_indirect_dma semaphore(%arg9 : memref<!tpu.dma_semaphore, #tpu.memory_space<semaphore_mem>>) src(%dma_wait3A_111 : memref<1000000x64xf32, #tpu.memory_space<hbm>>) dst(%dma_wait3A_106 : memref<128x64xf32, #tpu.memory_space<vmem>>)
      %dma_wait3A_112 = arith.constant 256 : i32
      %dma_wait3A_113 = arith.constant 0 : i32
      %dma_wait3A_114 = tpu.memref_slice %arg8[%dma_wait3A_112, %dma_wait3A_113] : memref<1280x64xf32, #tpu.memory_space<vmem>> -> memref<128x64xf32, #tpu.memory_space<vmem>>
      %dma_wait3A_115 = arith.constant 256 : i32
      %dma_wait3A_116 = tpu.memref_slice %arg7[%dma_wait3A_115] : memref<1280xi32, #tpu.memory_space<vmem>> -> memref<128xi32, #tpu.memory_space<vmem>>
      %dma_wait3A_117 = arith.constant 0 : i32
      %dma_wait3A_118 = arith.constant 0 : i32
      %dma_wait3A_119 = tpu.memref_slice %arg2[%dma_wait3A_117, %dma_wait3A_118] : memref<1000000x64xf32, #tpu.memory_space<hbm>> -> memref<1000000x64xf32, #tpu.memory_space<hbm>>
      tpu.wait_indirect_dma semaphore(%arg9 : memref<!tpu.dma_semaphore, #tpu.memory_space<semaphore_mem>>) src(%dma_wait3A_119 : memref<1000000x64xf32, #tpu.memory_space<hbm>>) dst(%dma_wait3A_114 : memref<128x64xf32, #tpu.memory_space<vmem>>)
      %dma_wait3A_120 = arith.constant 384 : i32
      %dma_wait3A_121 = arith.constant 0 : i32
      %dma_wait3A_122 = tpu.memref_slice %arg8[%dma_wait3A_120, %dma_wait3A_121] : memref<1280x64xf32, #tpu.memory_space<vmem>> -> memref<128x64xf32, #tpu.memory_space<vmem>>
      %dma_wait3A_123 = arith.constant 384 : i32
      %dma_wait3A_124 = tpu.memref_slice %arg7[%dma_wait3A_123] : memref<1280xi32, #tpu.memory_space<vmem>> -> memref<128xi32, #tpu.memory_space<vmem>>
      %dma_wait3A_125 = arith.constant 0 : i32
      %dma_wait3A_126 = arith.constant 0 : i32
      %dma_wait3A_127 = tpu.memref_slice %arg2[%dma_wait3A_125, %dma_wait3A_126] : memref<1000000x64xf32, #tpu.memory_space<hbm>> -> memref<1000000x64xf32, #tpu.memory_space<hbm>>
      tpu.wait_indirect_dma semaphore(%arg9 : memref<!tpu.dma_semaphore, #tpu.memory_space<semaphore_mem>>) src(%dma_wait3A_127 : memref<1000000x64xf32, #tpu.memory_space<hbm>>) dst(%dma_wait3A_122 : memref<128x64xf32, #tpu.memory_space<vmem>>)
      %dma_wait3A_128 = arith.constant 512 : i32
      %dma_wait3A_129 = arith.constant 0 : i32
      %dma_wait3A_130 = tpu.memref_slice %arg8[%dma_wait3A_128, %dma_wait3A_129] : memref<1280x64xf32, #tpu.memory_space<vmem>> -> memref<128x64xf32, #tpu.memory_space<vmem>>
      %dma_wait3A_131 = arith.constant 512 : i32
      %dma_wait3A_132 = tpu.memref_slice %arg7[%dma_wait3A_131] : memref<1280xi32, #tpu.memory_space<vmem>> -> memref<128xi32, #tpu.memory_space<vmem>>
      %dma_wait3A_133 = arith.constant 0 : i32
      %dma_wait3A_134 = arith.constant 0 : i32
      %dma_wait3A_135 = tpu.memref_slice %arg2[%dma_wait3A_133, %dma_wait3A_134] : memref<1000000x64xf32, #tpu.memory_space<hbm>> -> memref<1000000x64xf32, #tpu.memory_space<hbm>>
      tpu.wait_indirect_dma semaphore(%arg9 : memref<!tpu.dma_semaphore, #tpu.memory_space<semaphore_mem>>) src(%dma_wait3A_135 : memref<1000000x64xf32, #tpu.memory_space<hbm>>) dst(%dma_wait3A_130 : memref<128x64xf32, #tpu.memory_space<vmem>>)
      %dma_wait3A_136 = arith.constant 640 : i32
      %dma_wait3A_137 = arith.constant 0 : i32
      %dma_wait3A_138 = tpu.memref_slice %arg8[%dma_wait3A_136, %dma_wait3A_137] : memref<1280x64xf32, #tpu.memory_space<vmem>> -> memref<128x64xf32, #tpu.memory_space<vmem>>
      %dma_wait3A_139 = arith.constant 640 : i32
      %dma_wait3A_140 = tpu.memref_slice %arg7[%dma_wait3A_139] : memref<1280xi32, #tpu.memory_space<vmem>> -> memref<128xi32, #tpu.memory_space<vmem>>
      %dma_wait3A_141 = arith.constant 0 : i32
      %dma_wait3A_142 = arith.constant 0 : i32
      %dma_wait3A_143 = tpu.memref_slice %arg2[%dma_wait3A_141, %dma_wait3A_142] : memref<1000000x64xf32, #tpu.memory_space<hbm>> -> memref<1000000x64xf32, #tpu.memory_space<hbm>>
      tpu.wait_indirect_dma semaphore(%arg9 : memref<!tpu.dma_semaphore, #tpu.memory_space<semaphore_mem>>) src(%dma_wait3A_143 : memref<1000000x64xf32, #tpu.memory_space<hbm>>) dst(%dma_wait3A_138 : memref<128x64xf32, #tpu.memory_space<vmem>>)
      %dma_wait3A_144 = arith.constant 768 : i32
      %dma_wait3A_145 = arith.constant 0 : i32
      %dma_wait3A_146 = tpu.memref_slice %arg8[%dma_wait3A_144, %dma_wait3A_145] : memref<1280x64xf32, #tpu.memory_space<vmem>> -> memref<128x64xf32, #tpu.memory_space<vmem>>
      %dma_wait3A_147 = arith.constant 768 : i32
      %dma_wait3A_148 = tpu.memref_slice %arg7[%dma_wait3A_147] : memref<1280xi32, #tpu.memory_space<vmem>> -> memref<128xi32, #tpu.memory_space<vmem>>
      %dma_wait3A_149 = arith.constant 0 : i32
      %dma_wait3A_150 = arith.constant 0 : i32
      %dma_wait3A_151 = tpu.memref_slice %arg2[%dma_wait3A_149, %dma_wait3A_150] : memref<1000000x64xf32, #tpu.memory_space<hbm>> -> memref<1000000x64xf32, #tpu.memory_space<hbm>>
      tpu.wait_indirect_dma semaphore(%arg9 : memref<!tpu.dma_semaphore, #tpu.memory_space<semaphore_mem>>) src(%dma_wait3A_151 : memref<1000000x64xf32, #tpu.memory_space<hbm>>) dst(%dma_wait3A_146 : memref<128x64xf32, #tpu.memory_space<vmem>>)
      %dma_wait3A_152 = arith.constant 896 : i32
      %dma_wait3A_153 = arith.constant 0 : i32
      %dma_wait3A_154 = tpu.memref_slice %arg8[%dma_wait3A_152, %dma_wait3A_153] : memref<1280x64xf32, #tpu.memory_space<vmem>> -> memref<128x64xf32, #tpu.memory_space<vmem>>
      %dma_wait3A_155 = arith.constant 896 : i32
      %dma_wait3A_156 = tpu.memref_slice %arg7[%dma_wait3A_155] : memref<1280xi32, #tpu.memory_space<vmem>> -> memref<128xi32, #tpu.memory_space<vmem>>
      %dma_wait3A_157 = arith.constant 0 : i32
      %dma_wait3A_158 = arith.constant 0 : i32
      %dma_wait3A_159 = tpu.memref_slice %arg2[%dma_wait3A_157, %dma_wait3A_158] : memref<1000000x64xf32, #tpu.memory_space<hbm>> -> memref<1000000x64xf32, #tpu.memory_space<hbm>>
      tpu.wait_indirect_dma semaphore(%arg9 : memref<!tpu.dma_semaphore, #tpu.memory_space<semaphore_mem>>) src(%dma_wait3A_159 : memref<1000000x64xf32, #tpu.memory_space<hbm>>) dst(%dma_wait3A_154 : memref<128x64xf32, #tpu.memory_space<vmem>>)
      %dma_wait3A_160 = arith.constant 1024 : i32
      %dma_wait3A_161 = arith.constant 0 : i32
      %dma_wait3A_162 = tpu.memref_slice %arg8[%dma_wait3A_160, %dma_wait3A_161] : memref<1280x64xf32, #tpu.memory_space<vmem>> -> memref<128x64xf32, #tpu.memory_space<vmem>>
      %dma_wait3A_163 = arith.constant 1024 : i32
      %dma_wait3A_164 = tpu.memref_slice %arg7[%dma_wait3A_163] : memref<1280xi32, #tpu.memory_space<vmem>> -> memref<128xi32, #tpu.memory_space<vmem>>
      %dma_wait3A_165 = arith.constant 0 : i32
      %dma_wait3A_166 = arith.constant 0 : i32
      %dma_wait3A_167 = tpu.memref_slice %arg2[%dma_wait3A_165, %dma_wait3A_166] : memref<1000000x64xf32, #tpu.memory_space<hbm>> -> memref<1000000x64xf32, #tpu.memory_space<hbm>>
      tpu.wait_indirect_dma semaphore(%arg9 : memref<!tpu.dma_semaphore, #tpu.memory_space<semaphore_mem>>) src(%dma_wait3A_167 : memref<1000000x64xf32, #tpu.memory_space<hbm>>) dst(%dma_wait3A_162 : memref<128x64xf32, #tpu.memory_space<vmem>>)
      %dma_wait3A_168 = arith.constant 1152 : i32
      %dma_wait3A_169 = arith.constant 0 : i32
      %dma_wait3A_170 = tpu.memref_slice %arg8[%dma_wait3A_168, %dma_wait3A_169] : memref<1280x64xf32, #tpu.memory_space<vmem>> -> memref<128x64xf32, #tpu.memory_space<vmem>>
      %dma_wait3A_171 = arith.constant 1152 : i32
      %dma_wait3A_172 = tpu.memref_slice %arg7[%dma_wait3A_171] : memref<1280xi32, #tpu.memory_space<vmem>> -> memref<128xi32, #tpu.memory_space<vmem>>
      %dma_wait3A_173 = arith.constant 0 : i32
      %dma_wait3A_174 = arith.constant 0 : i32
      %dma_wait3A_175 = tpu.memref_slice %arg2[%dma_wait3A_173, %dma_wait3A_174] : memref<1000000x64xf32, #tpu.memory_space<hbm>> -> memref<1000000x64xf32, #tpu.memory_space<hbm>>
      tpu.wait_indirect_dma semaphore(%arg9 : memref<!tpu.dma_semaphore, #tpu.memory_space<semaphore_mem>>) src(%dma_wait3A_175 : memref<1000000x64xf32, #tpu.memory_space<hbm>>) dst(%dma_wait3A_170 : memref<128x64xf32, #tpu.memory_space<vmem>>)
      %add3A_176 = arith.constant 0 : i32
      %add3A_177 = arith.addi %add3A_176, %add3A_17 : i32
      "tpu.region"() ({
        %run_scoped3A = tpu.sem_alloc : memref<!tpu.dma_semaphore, #tpu.memory_space<semaphore_mem>>
        %dma_start3A_178 = arith.constant 0 : i32
        %dma_start3A_179 = tpu.memref_slice %arg6[%add3A_177, %dma_start3A_178] : memref<1638400x64xf32, #tpu.memory_space<hbm>> -> memref<1280x64xf32, #tpu.memory_space<hbm>>
        %dma_start3A_180 = arith.constant 0 : i32
        %dma_start3A_181 = tpu.memref_slice %arg6[%add3A_177, %dma_start3A_180] : memref<1638400x64xf32, #tpu.memory_space<hbm>> -> memref<1280x64xf32, #tpu.memory_space<hbm>>
        tpu.enqueue_dma source(%arg8 : memref<1280x64xf32, #tpu.memory_space<vmem>>) target(%dma_start3A_181 : memref<1280x64xf32, #tpu.memory_space<hbm>>) target_semaphore(%run_scoped3A : memref<!tpu.dma_semaphore, #tpu.memory_space<semaphore_mem>>)
        %dma_wait3A_182 = arith.constant 0 : i32
        %dma_wait3A_183 = tpu.memref_slice %arg6[%add3A_177, %dma_wait3A_182] : memref<1638400x64xf32, #tpu.memory_space<hbm>> -> memref<1280x64xf32, #tpu.memory_space<hbm>>
        %dma_wait3A_184 = arith.constant 0 : i32
        %dma_wait3A_185 = tpu.memref_slice %arg6[%add3A_177, %dma_wait3A_184] : memref<1638400x64xf32, #tpu.memory_space<hbm>> -> memref<1280x64xf32, #tpu.memory_space<hbm>>
        tpu.wait_dma2 semaphore(%run_scoped3A : memref<!tpu.dma_semaphore, #tpu.memory_space<semaphore_mem>>) src(%arg8 : memref<1280x64xf32, #tpu.memory_space<vmem>>) dst(%dma_wait3A_185 : memref<1280x64xf32, #tpu.memory_space<hbm>>)
        tpu.yield
      }) : () -> ()
    }
    %scan3A_7 = arith.constant 20 : i32
    %scan3A_8 = arith.constant 0 : i32
    %scan3A_9 = arith.constant 0 : i32
    %scan3A_10 = arith.constant 20 : i32
    %scan3A_11 = arith.addi %scan3A_9, %scan3A_10 : i32
    %scan3A_12 = arith.constant 1 : i32
    scf.for %scan3A_14 = %scan3A_9 to %scan3A_11 step %scan3A_12  : i32 {
      %mul3A_15 = arith.constant 1280 : i32
      %mul3A_16 = arith.muli %scan3A_14, %mul3A_15 : i32
      %add3A_17 = arith.addi %mul3A_2, %mul3A_16 : i32
      "tpu.region"() ({
        %run_scoped3A = tpu.sem_alloc : memref<!tpu.dma_semaphore, #tpu.memory_space<semaphore_mem>>
        %dma_start3A_178 = tpu.memref_slice %arg5[%add3A_17] : memref<819200xi32, #tpu.memory_space<hbm>> -> memref<1280xi32, #tpu.memory_space<hbm>>
        %dma_start3A_179 = tpu.memref_slice %arg5[%add3A_17] : memref<819200xi32, #tpu.memory_space<hbm>> -> memref<1280xi32, #tpu.memory_space<hbm>>
        tpu.enqueue_dma source(%dma_start3A_179 : memref<1280xi32, #tpu.memory_space<hbm>>) target(%arg7 : memref<1280xi32, #tpu.memory_space<vmem>>) target_semaphore(%run_scoped3A : memref<!tpu.dma_semaphore, #tpu.memory_space<semaphore_mem>>)
        %dma_wait3A_180 = tpu.memref_slice %arg5[%add3A_17] : memref<819200xi32, #tpu.memory_space<hbm>> -> memref<1280xi32, #tpu.memory_space<hbm>>
        %dma_wait3A_181 = tpu.memref_slice %arg5[%add3A_17] : memref<819200xi32, #tpu.memory_space<hbm>> -> memref<1280xi32, #tpu.memory_space<hbm>>
        tpu.wait_dma2 semaphore(%run_scoped3A : memref<!tpu.dma_semaphore, #tpu.memory_space<semaphore_mem>>) src(%dma_wait3A_181 : memref<1280xi32, #tpu.memory_space<hbm>>) dst(%arg7 : memref<1280xi32, #tpu.memory_space<vmem>>)
        tpu.yield
      }) : () -> ()
      %dma_start3A = arith.constant 0 : i32
      %dma_start3A_18 = arith.constant 0 : i32
      %dma_start3A_19 = tpu.memref_slice %arg8[%dma_start3A, %dma_start3A_18] : memref<1280x64xf32, #tpu.memory_space<vmem>> -> memref<128x64xf32, #tpu.memory_space<vmem>>
      %dma_start3A_20 = arith.constant 0 : i32
      %dma_start3A_21 = tpu.memref_slice %arg7[%dma_start3A_20] : memref<1280xi32, #tpu.memory_space<vmem>> -> memref<128xi32, #tpu.memory_space<vmem>>
      %dma_start3A_22 = arith.constant 0 : i32
      %dma_start3A_23 = arith.constant 0 : i32
      %dma_start3A_24 = tpu.memref_slice %arg3[%dma_start3A_22, %dma_start3A_23] : memref<1000000x64xf32, #tpu.memory_space<hbm>> -> memref<1000000x64xf32, #tpu.memory_space<hbm>>
      tpu.enqueue_indirect_dma source(%dma_start3A_24 : memref<1000000x64xf32, #tpu.memory_space<hbm>>) target(%dma_start3A_19 : memref<128x64xf32, #tpu.memory_space<vmem>>) offsets(%dma_start3A_21 : memref<128xi32, #tpu.memory_space<vmem>>) semaphore(%arg9 : memref<!tpu.dma_semaphore, #tpu.memory_space<semaphore_mem>>)
      %dma_start3A_25 = arith.constant 128 : i32
      %dma_start3A_26 = arith.constant 0 : i32
      %dma_start3A_27 = tpu.memref_slice %arg8[%dma_start3A_25, %dma_start3A_26] : memref<1280x64xf32, #tpu.memory_space<vmem>> -> memref<128x64xf32, #tpu.memory_space<vmem>>
      %dma_start3A_28 = arith.constant 128 : i32
      %dma_start3A_29 = tpu.memref_slice %arg7[%dma_start3A_28] : memref<1280xi32, #tpu.memory_space<vmem>> -> memref<128xi32, #tpu.memory_space<vmem>>
      %dma_start3A_30 = arith.constant 0 : i32
      %dma_start3A_31 = arith.constant 0 : i32
      %dma_start3A_32 = tpu.memref_slice %arg3[%dma_start3A_30, %dma_start3A_31] : memref<1000000x64xf32, #tpu.memory_space<hbm>> -> memref<1000000x64xf32, #tpu.memory_space<hbm>>
      tpu.enqueue_indirect_dma source(%dma_start3A_32 : memref<1000000x64xf32, #tpu.memory_space<hbm>>) target(%dma_start3A_27 : memref<128x64xf32, #tpu.memory_space<vmem>>) offsets(%dma_start3A_29 : memref<128xi32, #tpu.memory_space<vmem>>) semaphore(%arg9 : memref<!tpu.dma_semaphore, #tpu.memory_space<semaphore_mem>>)
      %dma_start3A_33 = arith.constant 256 : i32
      %dma_start3A_34 = arith.constant 0 : i32
      %dma_start3A_35 = tpu.memref_slice %arg8[%dma_start3A_33, %dma_start3A_34] : memref<1280x64xf32, #tpu.memory_space<vmem>> -> memref<128x64xf32, #tpu.memory_space<vmem>>
      %dma_start3A_36 = arith.constant 256 : i32
      %dma_start3A_37 = tpu.memref_slice %arg7[%dma_start3A_36] : memref<1280xi32, #tpu.memory_space<vmem>> -> memref<128xi32, #tpu.memory_space<vmem>>
      %dma_start3A_38 = arith.constant 0 : i32
      %dma_start3A_39 = arith.constant 0 : i32
      %dma_start3A_40 = tpu.memref_slice %arg3[%dma_start3A_38, %dma_start3A_39] : memref<1000000x64xf32, #tpu.memory_space<hbm>> -> memref<1000000x64xf32, #tpu.memory_space<hbm>>
      tpu.enqueue_indirect_dma source(%dma_start3A_40 : memref<1000000x64xf32, #tpu.memory_space<hbm>>) target(%dma_start3A_35 : memref<128x64xf32, #tpu.memory_space<vmem>>) offsets(%dma_start3A_37 : memref<128xi32, #tpu.memory_space<vmem>>) semaphore(%arg9 : memref<!tpu.dma_semaphore, #tpu.memory_space<semaphore_mem>>)
      %dma_start3A_41 = arith.constant 384 : i32
      %dma_start3A_42 = arith.constant 0 : i32
      %dma_start3A_43 = tpu.memref_slice %arg8[%dma_start3A_41, %dma_start3A_42] : memref<1280x64xf32, #tpu.memory_space<vmem>> -> memref<128x64xf32, #tpu.memory_space<vmem>>
      %dma_start3A_44 = arith.constant 384 : i32
      %dma_start3A_45 = tpu.memref_slice %arg7[%dma_start3A_44] : memref<1280xi32, #tpu.memory_space<vmem>> -> memref<128xi32, #tpu.memory_space<vmem>>
      %dma_start3A_46 = arith.constant 0 : i32
      %dma_start3A_47 = arith.constant 0 : i32
      %dma_start3A_48 = tpu.memref_slice %arg3[%dma_start3A_46, %dma_start3A_47] : memref<1000000x64xf32, #tpu.memory_space<hbm>> -> memref<1000000x64xf32, #tpu.memory_space<hbm>>
      tpu.enqueue_indirect_dma source(%dma_start3A_48 : memref<1000000x64xf32, #tpu.memory_space<hbm>>) target(%dma_start3A_43 : memref<128x64xf32, #tpu.memory_space<vmem>>) offsets(%dma_start3A_45 : memref<128xi32, #tpu.memory_space<vmem>>) semaphore(%arg9 : memref<!tpu.dma_semaphore, #tpu.memory_space<semaphore_mem>>)
      %dma_start3A_49 = arith.constant 512 : i32
      %dma_start3A_50 = arith.constant 0 : i32
      %dma_start3A_51 = tpu.memref_slice %arg8[%dma_start3A_49, %dma_start3A_50] : memref<1280x64xf32, #tpu.memory_space<vmem>> -> memref<128x64xf32, #tpu.memory_space<vmem>>
      %dma_start3A_52 = arith.constant 512 : i32
      %dma_start3A_53 = tpu.memref_slice %arg7[%dma_start3A_52] : memref<1280xi32, #tpu.memory_space<vmem>> -> memref<128xi32, #tpu.memory_space<vmem>>
      %dma_start3A_54 = arith.constant 0 : i32
      %dma_start3A_55 = arith.constant 0 : i32
      %dma_start3A_56 = tpu.memref_slice %arg3[%dma_start3A_54, %dma_start3A_55] : memref<1000000x64xf32, #tpu.memory_space<hbm>> -> memref<1000000x64xf32, #tpu.memory_space<hbm>>
      tpu.enqueue_indirect_dma source(%dma_start3A_56 : memref<1000000x64xf32, #tpu.memory_space<hbm>>) target(%dma_start3A_51 : memref<128x64xf32, #tpu.memory_space<vmem>>) offsets(%dma_start3A_53 : memref<128xi32, #tpu.memory_space<vmem>>) semaphore(%arg9 : memref<!tpu.dma_semaphore, #tpu.memory_space<semaphore_mem>>)
      %dma_start3A_57 = arith.constant 640 : i32
      %dma_start3A_58 = arith.constant 0 : i32
      %dma_start3A_59 = tpu.memref_slice %arg8[%dma_start3A_57, %dma_start3A_58] : memref<1280x64xf32, #tpu.memory_space<vmem>> -> memref<128x64xf32, #tpu.memory_space<vmem>>
      %dma_start3A_60 = arith.constant 640 : i32
      %dma_start3A_61 = tpu.memref_slice %arg7[%dma_start3A_60] : memref<1280xi32, #tpu.memory_space<vmem>> -> memref<128xi32, #tpu.memory_space<vmem>>
      %dma_start3A_62 = arith.constant 0 : i32
      %dma_start3A_63 = arith.constant 0 : i32
      %dma_start3A_64 = tpu.memref_slice %arg3[%dma_start3A_62, %dma_start3A_63] : memref<1000000x64xf32, #tpu.memory_space<hbm>> -> memref<1000000x64xf32, #tpu.memory_space<hbm>>
      tpu.enqueue_indirect_dma source(%dma_start3A_64 : memref<1000000x64xf32, #tpu.memory_space<hbm>>) target(%dma_start3A_59 : memref<128x64xf32, #tpu.memory_space<vmem>>) offsets(%dma_start3A_61 : memref<128xi32, #tpu.memory_space<vmem>>) semaphore(%arg9 : memref<!tpu.dma_semaphore, #tpu.memory_space<semaphore_mem>>)
      %dma_start3A_65 = arith.constant 768 : i32
      %dma_start3A_66 = arith.constant 0 : i32
      %dma_start3A_67 = tpu.memref_slice %arg8[%dma_start3A_65, %dma_start3A_66] : memref<1280x64xf32, #tpu.memory_space<vmem>> -> memref<128x64xf32, #tpu.memory_space<vmem>>
      %dma_start3A_68 = arith.constant 768 : i32
      %dma_start3A_69 = tpu.memref_slice %arg7[%dma_start3A_68] : memref<1280xi32, #tpu.memory_space<vmem>> -> memref<128xi32, #tpu.memory_space<vmem>>
      %dma_start3A_70 = arith.constant 0 : i32
      %dma_start3A_71 = arith.constant 0 : i32
      %dma_start3A_72 = tpu.memref_slice %arg3[%dma_start3A_70, %dma_start3A_71] : memref<1000000x64xf32, #tpu.memory_space<hbm>> -> memref<1000000x64xf32, #tpu.memory_space<hbm>>
      tpu.enqueue_indirect_dma source(%dma_start3A_72 : memref<1000000x64xf32, #tpu.memory_space<hbm>>) target(%dma_start3A_67 : memref<128x64xf32, #tpu.memory_space<vmem>>) offsets(%dma_start3A_69 : memref<128xi32, #tpu.memory_space<vmem>>) semaphore(%arg9 : memref<!tpu.dma_semaphore, #tpu.memory_space<semaphore_mem>>)
      %dma_start3A_73 = arith.constant 896 : i32
      %dma_start3A_74 = arith.constant 0 : i32
      %dma_start3A_75 = tpu.memref_slice %arg8[%dma_start3A_73, %dma_start3A_74] : memref<1280x64xf32, #tpu.memory_space<vmem>> -> memref<128x64xf32, #tpu.memory_space<vmem>>
      %dma_start3A_76 = arith.constant 896 : i32
      %dma_start3A_77 = tpu.memref_slice %arg7[%dma_start3A_76] : memref<1280xi32, #tpu.memory_space<vmem>> -> memref<128xi32, #tpu.memory_space<vmem>>
      %dma_start3A_78 = arith.constant 0 : i32
      %dma_start3A_79 = arith.constant 0 : i32
      %dma_start3A_80 = tpu.memref_slice %arg3[%dma_start3A_78, %dma_start3A_79] : memref<1000000x64xf32, #tpu.memory_space<hbm>> -> memref<1000000x64xf32, #tpu.memory_space<hbm>>
      tpu.enqueue_indirect_dma source(%dma_start3A_80 : memref<1000000x64xf32, #tpu.memory_space<hbm>>) target(%dma_start3A_75 : memref<128x64xf32, #tpu.memory_space<vmem>>) offsets(%dma_start3A_77 : memref<128xi32, #tpu.memory_space<vmem>>) semaphore(%arg9 : memref<!tpu.dma_semaphore, #tpu.memory_space<semaphore_mem>>)
      %dma_start3A_81 = arith.constant 1024 : i32
      %dma_start3A_82 = arith.constant 0 : i32
      %dma_start3A_83 = tpu.memref_slice %arg8[%dma_start3A_81, %dma_start3A_82] : memref<1280x64xf32, #tpu.memory_space<vmem>> -> memref<128x64xf32, #tpu.memory_space<vmem>>
      %dma_start3A_84 = arith.constant 1024 : i32
      %dma_start3A_85 = tpu.memref_slice %arg7[%dma_start3A_84] : memref<1280xi32, #tpu.memory_space<vmem>> -> memref<128xi32, #tpu.memory_space<vmem>>
      %dma_start3A_86 = arith.constant 0 : i32
      %dma_start3A_87 = arith.constant 0 : i32
      %dma_start3A_88 = tpu.memref_slice %arg3[%dma_start3A_86, %dma_start3A_87] : memref<1000000x64xf32, #tpu.memory_space<hbm>> -> memref<1000000x64xf32, #tpu.memory_space<hbm>>
      tpu.enqueue_indirect_dma source(%dma_start3A_88 : memref<1000000x64xf32, #tpu.memory_space<hbm>>) target(%dma_start3A_83 : memref<128x64xf32, #tpu.memory_space<vmem>>) offsets(%dma_start3A_85 : memref<128xi32, #tpu.memory_space<vmem>>) semaphore(%arg9 : memref<!tpu.dma_semaphore, #tpu.memory_space<semaphore_mem>>)
      %dma_start3A_89 = arith.constant 1152 : i32
      %dma_start3A_90 = arith.constant 0 : i32
      %dma_start3A_91 = tpu.memref_slice %arg8[%dma_start3A_89, %dma_start3A_90] : memref<1280x64xf32, #tpu.memory_space<vmem>> -> memref<128x64xf32, #tpu.memory_space<vmem>>
      %dma_start3A_92 = arith.constant 1152 : i32
      %dma_start3A_93 = tpu.memref_slice %arg7[%dma_start3A_92] : memref<1280xi32, #tpu.memory_space<vmem>> -> memref<128xi32, #tpu.memory_space<vmem>>
      %dma_start3A_94 = arith.constant 0 : i32
      %dma_start3A_95 = arith.constant 0 : i32
      %dma_start3A_96 = tpu.memref_slice %arg3[%dma_start3A_94, %dma_start3A_95] : memref<1000000x64xf32, #tpu.memory_space<hbm>> -> memref<1000000x64xf32, #tpu.memory_space<hbm>>
      tpu.enqueue_indirect_dma source(%dma_start3A_96 : memref<1000000x64xf32, #tpu.memory_space<hbm>>) target(%dma_start3A_91 : memref<128x64xf32, #tpu.memory_space<vmem>>) offsets(%dma_start3A_93 : memref<128xi32, #tpu.memory_space<vmem>>) semaphore(%arg9 : memref<!tpu.dma_semaphore, #tpu.memory_space<semaphore_mem>>)
      %dma_wait3A = arith.constant 0 : i32
      %dma_wait3A_97 = arith.constant 0 : i32
      %dma_wait3A_98 = tpu.memref_slice %arg8[%dma_wait3A, %dma_wait3A_97] : memref<1280x64xf32, #tpu.memory_space<vmem>> -> memref<128x64xf32, #tpu.memory_space<vmem>>
      %dma_wait3A_99 = arith.constant 0 : i32
      %dma_wait3A_100 = tpu.memref_slice %arg7[%dma_wait3A_99] : memref<1280xi32, #tpu.memory_space<vmem>> -> memref<128xi32, #tpu.memory_space<vmem>>
      %dma_wait3A_101 = arith.constant 0 : i32
      %dma_wait3A_102 = arith.constant 0 : i32
      %dma_wait3A_103 = tpu.memref_slice %arg3[%dma_wait3A_101, %dma_wait3A_102] : memref<1000000x64xf32, #tpu.memory_space<hbm>> -> memref<1000000x64xf32, #tpu.memory_space<hbm>>
      tpu.wait_indirect_dma semaphore(%arg9 : memref<!tpu.dma_semaphore, #tpu.memory_space<semaphore_mem>>) src(%dma_wait3A_103 : memref<1000000x64xf32, #tpu.memory_space<hbm>>) dst(%dma_wait3A_98 : memref<128x64xf32, #tpu.memory_space<vmem>>)
      %dma_wait3A_104 = arith.constant 128 : i32
      %dma_wait3A_105 = arith.constant 0 : i32
      %dma_wait3A_106 = tpu.memref_slice %arg8[%dma_wait3A_104, %dma_wait3A_105] : memref<1280x64xf32, #tpu.memory_space<vmem>> -> memref<128x64xf32, #tpu.memory_space<vmem>>
      %dma_wait3A_107 = arith.constant 128 : i32
      %dma_wait3A_108 = tpu.memref_slice %arg7[%dma_wait3A_107] : memref<1280xi32, #tpu.memory_space<vmem>> -> memref<128xi32, #tpu.memory_space<vmem>>
      %dma_wait3A_109 = arith.constant 0 : i32
      %dma_wait3A_110 = arith.constant 0 : i32
      %dma_wait3A_111 = tpu.memref_slice %arg3[%dma_wait3A_109, %dma_wait3A_110] : memref<1000000x64xf32, #tpu.memory_space<hbm>> -> memref<1000000x64xf32, #tpu.memory_space<hbm>>
      tpu.wait_indirect_dma semaphore(%arg9 : memref<!tpu.dma_semaphore, #tpu.memory_space<semaphore_mem>>) src(%dma_wait3A_111 : memref<1000000x64xf32, #tpu.memory_space<hbm>>) dst(%dma_wait3A_106 : memref<128x64xf32, #tpu.memory_space<vmem>>)
      %dma_wait3A_112 = arith.constant 256 : i32
      %dma_wait3A_113 = arith.constant 0 : i32
      %dma_wait3A_114 = tpu.memref_slice %arg8[%dma_wait3A_112, %dma_wait3A_113] : memref<1280x64xf32, #tpu.memory_space<vmem>> -> memref<128x64xf32, #tpu.memory_space<vmem>>
      %dma_wait3A_115 = arith.constant 256 : i32
      %dma_wait3A_116 = tpu.memref_slice %arg7[%dma_wait3A_115] : memref<1280xi32, #tpu.memory_space<vmem>> -> memref<128xi32, #tpu.memory_space<vmem>>
      %dma_wait3A_117 = arith.constant 0 : i32
      %dma_wait3A_118 = arith.constant 0 : i32
      %dma_wait3A_119 = tpu.memref_slice %arg3[%dma_wait3A_117, %dma_wait3A_118] : memref<1000000x64xf32, #tpu.memory_space<hbm>> -> memref<1000000x64xf32, #tpu.memory_space<hbm>>
      tpu.wait_indirect_dma semaphore(%arg9 : memref<!tpu.dma_semaphore, #tpu.memory_space<semaphore_mem>>) src(%dma_wait3A_119 : memref<1000000x64xf32, #tpu.memory_space<hbm>>) dst(%dma_wait3A_114 : memref<128x64xf32, #tpu.memory_space<vmem>>)
      %dma_wait3A_120 = arith.constant 384 : i32
      %dma_wait3A_121 = arith.constant 0 : i32
      %dma_wait3A_122 = tpu.memref_slice %arg8[%dma_wait3A_120, %dma_wait3A_121] : memref<1280x64xf32, #tpu.memory_space<vmem>> -> memref<128x64xf32, #tpu.memory_space<vmem>>
      %dma_wait3A_123 = arith.constant 384 : i32
      %dma_wait3A_124 = tpu.memref_slice %arg7[%dma_wait3A_123] : memref<1280xi32, #tpu.memory_space<vmem>> -> memref<128xi32, #tpu.memory_space<vmem>>
      %dma_wait3A_125 = arith.constant 0 : i32
      %dma_wait3A_126 = arith.constant 0 : i32
      %dma_wait3A_127 = tpu.memref_slice %arg3[%dma_wait3A_125, %dma_wait3A_126] : memref<1000000x64xf32, #tpu.memory_space<hbm>> -> memref<1000000x64xf32, #tpu.memory_space<hbm>>
      tpu.wait_indirect_dma semaphore(%arg9 : memref<!tpu.dma_semaphore, #tpu.memory_space<semaphore_mem>>) src(%dma_wait3A_127 : memref<1000000x64xf32, #tpu.memory_space<hbm>>) dst(%dma_wait3A_122 : memref<128x64xf32, #tpu.memory_space<vmem>>)
      %dma_wait3A_128 = arith.constant 512 : i32
      %dma_wait3A_129 = arith.constant 0 : i32
      %dma_wait3A_130 = tpu.memref_slice %arg8[%dma_wait3A_128, %dma_wait3A_129] : memref<1280x64xf32, #tpu.memory_space<vmem>> -> memref<128x64xf32, #tpu.memory_space<vmem>>
      %dma_wait3A_131 = arith.constant 512 : i32
      %dma_wait3A_132 = tpu.memref_slice %arg7[%dma_wait3A_131] : memref<1280xi32, #tpu.memory_space<vmem>> -> memref<128xi32, #tpu.memory_space<vmem>>
      %dma_wait3A_133 = arith.constant 0 : i32
      %dma_wait3A_134 = arith.constant 0 : i32
      %dma_wait3A_135 = tpu.memref_slice %arg3[%dma_wait3A_133, %dma_wait3A_134] : memref<1000000x64xf32, #tpu.memory_space<hbm>> -> memref<1000000x64xf32, #tpu.memory_space<hbm>>
      tpu.wait_indirect_dma semaphore(%arg9 : memref<!tpu.dma_semaphore, #tpu.memory_space<semaphore_mem>>) src(%dma_wait3A_135 : memref<1000000x64xf32, #tpu.memory_space<hbm>>) dst(%dma_wait3A_130 : memref<128x64xf32, #tpu.memory_space<vmem>>)
      %dma_wait3A_136 = arith.constant 640 : i32
      %dma_wait3A_137 = arith.constant 0 : i32
      %dma_wait3A_138 = tpu.memref_slice %arg8[%dma_wait3A_136, %dma_wait3A_137] : memref<1280x64xf32, #tpu.memory_space<vmem>> -> memref<128x64xf32, #tpu.memory_space<vmem>>
      %dma_wait3A_139 = arith.constant 640 : i32
      %dma_wait3A_140 = tpu.memref_slice %arg7[%dma_wait3A_139] : memref<1280xi32, #tpu.memory_space<vmem>> -> memref<128xi32, #tpu.memory_space<vmem>>
      %dma_wait3A_141 = arith.constant 0 : i32
      %dma_wait3A_142 = arith.constant 0 : i32
      %dma_wait3A_143 = tpu.memref_slice %arg3[%dma_wait3A_141, %dma_wait3A_142] : memref<1000000x64xf32, #tpu.memory_space<hbm>> -> memref<1000000x64xf32, #tpu.memory_space<hbm>>
      tpu.wait_indirect_dma semaphore(%arg9 : memref<!tpu.dma_semaphore, #tpu.memory_space<semaphore_mem>>) src(%dma_wait3A_143 : memref<1000000x64xf32, #tpu.memory_space<hbm>>) dst(%dma_wait3A_138 : memref<128x64xf32, #tpu.memory_space<vmem>>)
      %dma_wait3A_144 = arith.constant 768 : i32
      %dma_wait3A_145 = arith.constant 0 : i32
      %dma_wait3A_146 = tpu.memref_slice %arg8[%dma_wait3A_144, %dma_wait3A_145] : memref<1280x64xf32, #tpu.memory_space<vmem>> -> memref<128x64xf32, #tpu.memory_space<vmem>>
      %dma_wait3A_147 = arith.constant 768 : i32
      %dma_wait3A_148 = tpu.memref_slice %arg7[%dma_wait3A_147] : memref<1280xi32, #tpu.memory_space<vmem>> -> memref<128xi32, #tpu.memory_space<vmem>>
      %dma_wait3A_149 = arith.constant 0 : i32
      %dma_wait3A_150 = arith.constant 0 : i32
      %dma_wait3A_151 = tpu.memref_slice %arg3[%dma_wait3A_149, %dma_wait3A_150] : memref<1000000x64xf32, #tpu.memory_space<hbm>> -> memref<1000000x64xf32, #tpu.memory_space<hbm>>
      tpu.wait_indirect_dma semaphore(%arg9 : memref<!tpu.dma_semaphore, #tpu.memory_space<semaphore_mem>>) src(%dma_wait3A_151 : memref<1000000x64xf32, #tpu.memory_space<hbm>>) dst(%dma_wait3A_146 : memref<128x64xf32, #tpu.memory_space<vmem>>)
      %dma_wait3A_152 = arith.constant 896 : i32
      %dma_wait3A_153 = arith.constant 0 : i32
      %dma_wait3A_154 = tpu.memref_slice %arg8[%dma_wait3A_152, %dma_wait3A_153] : memref<1280x64xf32, #tpu.memory_space<vmem>> -> memref<128x64xf32, #tpu.memory_space<vmem>>
      %dma_wait3A_155 = arith.constant 896 : i32
      %dma_wait3A_156 = tpu.memref_slice %arg7[%dma_wait3A_155] : memref<1280xi32, #tpu.memory_space<vmem>> -> memref<128xi32, #tpu.memory_space<vmem>>
      %dma_wait3A_157 = arith.constant 0 : i32
      %dma_wait3A_158 = arith.constant 0 : i32
      %dma_wait3A_159 = tpu.memref_slice %arg3[%dma_wait3A_157, %dma_wait3A_158] : memref<1000000x64xf32, #tpu.memory_space<hbm>> -> memref<1000000x64xf32, #tpu.memory_space<hbm>>
      tpu.wait_indirect_dma semaphore(%arg9 : memref<!tpu.dma_semaphore, #tpu.memory_space<semaphore_mem>>) src(%dma_wait3A_159 : memref<1000000x64xf32, #tpu.memory_space<hbm>>) dst(%dma_wait3A_154 : memref<128x64xf32, #tpu.memory_space<vmem>>)
      %dma_wait3A_160 = arith.constant 1024 : i32
      %dma_wait3A_161 = arith.constant 0 : i32
      %dma_wait3A_162 = tpu.memref_slice %arg8[%dma_wait3A_160, %dma_wait3A_161] : memref<1280x64xf32, #tpu.memory_space<vmem>> -> memref<128x64xf32, #tpu.memory_space<vmem>>
      %dma_wait3A_163 = arith.constant 1024 : i32
      %dma_wait3A_164 = tpu.memref_slice %arg7[%dma_wait3A_163] : memref<1280xi32, #tpu.memory_space<vmem>> -> memref<128xi32, #tpu.memory_space<vmem>>
      %dma_wait3A_165 = arith.constant 0 : i32
      %dma_wait3A_166 = arith.constant 0 : i32
      %dma_wait3A_167 = tpu.memref_slice %arg3[%dma_wait3A_165, %dma_wait3A_166] : memref<1000000x64xf32, #tpu.memory_space<hbm>> -> memref<1000000x64xf32, #tpu.memory_space<hbm>>
      tpu.wait_indirect_dma semaphore(%arg9 : memref<!tpu.dma_semaphore, #tpu.memory_space<semaphore_mem>>) src(%dma_wait3A_167 : memref<1000000x64xf32, #tpu.memory_space<hbm>>) dst(%dma_wait3A_162 : memref<128x64xf32, #tpu.memory_space<vmem>>)
      %dma_wait3A_168 = arith.constant 1152 : i32
      %dma_wait3A_169 = arith.constant 0 : i32
      %dma_wait3A_170 = tpu.memref_slice %arg8[%dma_wait3A_168, %dma_wait3A_169] : memref<1280x64xf32, #tpu.memory_space<vmem>> -> memref<128x64xf32, #tpu.memory_space<vmem>>
      %dma_wait3A_171 = arith.constant 1152 : i32
      %dma_wait3A_172 = tpu.memref_slice %arg7[%dma_wait3A_171] : memref<1280xi32, #tpu.memory_space<vmem>> -> memref<128xi32, #tpu.memory_space<vmem>>
      %dma_wait3A_173 = arith.constant 0 : i32
      %dma_wait3A_174 = arith.constant 0 : i32
      %dma_wait3A_175 = tpu.memref_slice %arg3[%dma_wait3A_173, %dma_wait3A_174] : memref<1000000x64xf32, #tpu.memory_space<hbm>> -> memref<1000000x64xf32, #tpu.memory_space<hbm>>
      tpu.wait_indirect_dma semaphore(%arg9 : memref<!tpu.dma_semaphore, #tpu.memory_space<semaphore_mem>>) src(%dma_wait3A_175 : memref<1000000x64xf32, #tpu.memory_space<hbm>>) dst(%dma_wait3A_170 : memref<128x64xf32, #tpu.memory_space<vmem>>)
      %add3A_176 = arith.constant 819200 : i32
      %add3A_177 = arith.addi %add3A_176, %add3A_17 : i32
      "tpu.region"() ({
        %run_scoped3A = tpu.sem_alloc : memref<!tpu.dma_semaphore, #tpu.memory_space<semaphore_mem>>
        %dma_start3A_178 = arith.constant 0 : i32
        %dma_start3A_179 = tpu.memref_slice %arg6[%add3A_177, %dma_start3A_178] : memref<1638400x64xf32, #tpu.memory_space<hbm>> -> memref<1280x64xf32, #tpu.memory_space<hbm>>
        %dma_start3A_180 = arith.constant 0 : i32
        %dma_start3A_181 = tpu.memref_slice %arg6[%add3A_177, %dma_start3A_180] : memref<1638400x64xf32, #tpu.memory_space<hbm>> -> memref<1280x64xf32, #tpu.memory_space<hbm>>
        tpu.enqueue_dma source(%arg8 : memref<1280x64xf32, #tpu.memory_space<vmem>>) target(%dma_start3A_181 : memref<1280x64xf32, #tpu.memory_space<hbm>>) target_semaphore(%run_scoped3A : memref<!tpu.dma_semaphore, #tpu.memory_space<semaphore_mem>>)
        %dma_wait3A_182 = arith.constant 0 : i32
        %dma_wait3A_183 = tpu.memref_slice %arg6[%add3A_177, %dma_wait3A_182] : memref<1638400x64xf32, #tpu.memory_space<hbm>> -> memref<1280x64xf32, #tpu.memory_space<hbm>>
        %dma_wait3A_184 = arith.constant 0 : i32
        %dma_wait3A_185 = tpu.memref_slice %arg6[%add3A_177, %dma_wait3A_184] : memref<1638400x64xf32, #tpu.memory_space<hbm>> -> memref<1280x64xf32, #tpu.memory_space<hbm>>
        tpu.wait_dma2 semaphore(%run_scoped3A : memref<!tpu.dma_semaphore, #tpu.memory_space<semaphore_mem>>) src(%arg8 : memref<1280x64xf32, #tpu.memory_space<vmem>>) dst(%dma_wait3A_185 : memref<1280x64xf32, #tpu.memory_space<hbm>>)
        tpu.yield
      }) : () -> ()
    }
    %scan3A_13 = arith.constant 20 : i32
    return
  }
}

module attributes {stable_mosaic.version = 14 : i64} {
  func.func @_mm_body(%arg0: i32, %arg1: memref<12800x128xf32, #tpu.memory_space<vmem>>, %arg2: memref<128x128xf32, #tpu.memory_space<vmem>>, %arg3: memref<12800x128xf32, #tpu.memory_space<vmem>>) attributes {dimension_semantics = [#tpu.dimension_semantics<arbitrary>], iteration_bounds = array<i64: 64>, scalar_prefetch = 0 : i64, scratch_operands = 0 : i64, tpu.core_type = #tpu.core_type<tc>, window_params = [{transform_indices = @transform_0, window_bounds = array<i64: 12800, 128>}, {pipeline_mode = #tpu.pipeline_mode<synchronous>, transform_indices = @transform_1, window_bounds = array<i64: 128, 128>}, {transform_indices = @transform_2, window_bounds = array<i64: 12800, 128>}]} {
    %get3A = arith.constant 0 : index
    %get3A_0 = arith.constant 0 : index
    %get3A_1 = vector.load %arg1[%get3A, %get3A_0] : memref<12800x128xf32, #tpu.memory_space<vmem>>, vector<12800x128xf32>
    %get3A_2 = arith.constant 0 : index
    %get3A_3 = arith.constant 0 : index
    %get3A_4 = vector.load %arg2[%get3A_2, %get3A_3] : memref<128x128xf32, #tpu.memory_space<vmem>>, vector<128x128xf32>
    %dot_general3A = arith.constant dense<0.000000e+00> : vector<12800x128xf32>
    %dot_general3A_5 = tpu.matmul %get3A_1, %get3A_4, %dot_general3A {dimension_numbers = #tpu.dot_dimension_numbers<[1], [0], [0], [1], [0, 0, 1, 1], [], []>, transpose_lhs_hint = false} : vector<12800x128xf32>, vector<128x128xf32>, vector<12800x128xf32> -> vector<12800x128xf32>
    %swap3A = arith.constant 0 : index
    %swap3A_6 = arith.constant 0 : index
    %swap3A_7 = vector.load %arg3[%swap3A, %swap3A_6] : memref<12800x128xf32, #tpu.memory_space<vmem>>, vector<12800x128xf32>
    tpu.vector_store %arg3[%swap3A, %swap3A_6], %dot_general3A_5 {strides = array<i32>} : memref<12800x128xf32, #tpu.memory_space<vmem>>, vector<12800x128xf32>,
    return
  }
  func.func @transform_0(%arg0: i32) -> (i32, i32) {
    %c0_i32 = arith.constant 0 : i32
    %c0_i32_0 = arith.constant 0 : i32
    return %arg0, %c0_i32 : i32, i32
  }
  func.func @transform_1(%arg0: i32) -> (i32, i32) {
    %c0_i32 = arith.constant 0 : i32
    %c0_i32_0 = arith.constant 0 : i32
    %c0_i32_1 = arith.constant 0 : i32
    return %c0_i32, %c0_i32_0 : i32, i32
  }
  func.func @transform_2(%arg0: i32) -> (i32, i32) {
    %c0_i32 = arith.constant 0 : i32
    %c0_i32_0 = arith.constant 0 : i32
    return %arg0, %c0_i32 : i32, i32
  }
}

</mosaic_0001>

<sc_bundles>
// kernel: kernel.4.cloned.1.call-start
scs
__scs_entry_jumppad:
0x0: {  	(pc) =	sbr.rel $0x88, $3  }
0x1: {  	(tag) =	ssettag $0x0;
	lr =	simm.s32 $0x1  }
0x2: {  	[smem:$0x3F9C] =	sst lr;
	_ =	strace $0xD0000000  }
0x3: {  	_ = 	snop  }
0x4: {  	_ = 	snop  }
0x5: {  	_ = 	snop  }
0x6: {  	_ = 	snop  }
0x7: {  	_ = 	snop  }
__scs_overlays_trampoline_lowered:
0x8: {  	[smem:$0x3FAB] =	sst s0  }
0x9: {  	[smem:$0x3FAC] =	sst s1  }
0xa: {  	[smem:$0x3FAD] =	sst s2  }
0xb: {  	[smem:$0x3FAE] =	sst s3  }
0xc: {  	[smem:$0x3FAF] =	sst s4  }
0xd: {  	[smem:$0x3FB0] =	sst s5  }
0xe: {  	[smem:$0x3FB1] =	sst s6  }
0xf: {  	[smem:$0x3FB2] =	sst s7  }
0x10: {  	[smem:$0x3FB3] =	sst s8  }
0x11: {  	[smem:$0x3FB4] =	sst s9;
	s0 =	simm.s32 @!p0 $0x0  }
0x12: {  	s1 =	sld [smem:$0x3F9A];
	s0 =	simm.s32 @p0 $0x1  }
0x13: {  	[smem:$0x3FB5] =	sst s0;
	s0 =	simm.s32 @!p1 $0x0  }
0x14: {  	s2 =	sld [smem:$0x3F99];
	s0 =	simm.s32 @p1 $0x1  }
0x15: {  	[smem:$0x3FB6] =	sst s0;
	s0 =	simm.s32 @!p2 $0x0  }
0x16: {  	s3 =	sld [smem:$0x3FDB];
	s0 =	simm.s32 @p2 $0x1  }
0x17: {  	s4 =	simm.s32 $0x1BF5;
	[smem:$0x3FB8] =	sst s0  }
0x18: {  	s0 =	sld [smem:$0x3F9B];
	_ =	swait.ge [sflag:s4], $0x0  }
0x19: {  	s7 =	sld [smem:$0x3F9C]  }
0x1a: {  	s8 =	sadd.s32 $0xFFFFE003, lr  }
0x1b: {  	s9 =	sadd.s32 $0xFFFFFEF7, lr;
	s5 =	simm.s32 $0xFFFFFFFF;
	p2 =	slt.u32 s8, $0xFFFFF086  }
0x1c: {  	p1 =	slt.u32 s9, $0xF7A;
	s5 =	simm.s32 @!p2 $0x0  }
0x1d: {  	s5 =	simm.s32 @p1 $0x1;
	p0 =	seq.s32 s7, s2  }
0x1e: {  	s7 =	smul.u32 @!p0 $0xF7A, s2;
	p2 =	seq.s32 @!p0 s5, $0x0  }
0x1f: {  	s9 =	smul.u32 $0xF7A, s1;
	s8 =	simm.s32 @!p0 $0x1BF5;
	p2 =	por !p2, p0  }
0x20: {  	[sflag:s8] =	ssyncset.s32 @!p0 $0xFFFFF086;
	s6 =	sadd.s32 @!p0 s3, s7;
	s7 =	simm.s32 @!p0 $0x108  }
0x21: {  	s3 =	sadd.s32 s3, s9;
	s6 =	sadd.s32 @!p0 $0x88, s6;
	s7 =	simm.s32 @p2 $0x1082  }
0x22: {  	[simem:s7], [sflag:s8] =	dma.local @!p0 [hbm:s6], $0xF7A  }
0x23: {  	s9 =	sor.u32 $0xD0000000, s2;
	s6 =	simm.s32 $0x108;
	_ =	swait.ge @!p0 [sflag:s8], $0x0  }
0x24: {  	s3 =	sadd.s32 $0x88, s3;
	s6 =	simm.s32 @!p1 $0x1082;
	[sflag:s4] =	ssyncset.s32 $0xFFFFF086  }
0x25: {  	[simem:s6], [sflag:s4] =	dma.local [hbm:s3], $0xF7A  }
0x26: {  	[smem:$0x3F9C] =	sst s1;
	(tag) =	ssettag s2;
	_ =	strace s9  }
0x27: {  	s1 =	sld [smem:$0x3FAC]  }
0x28: {  	s2 =	sld [smem:$0x3FAD]  }
0x29: {  	s4 =	sld [smem:$0x3FAF]  }
0x2a: {  	p0 =	seq.s32 s5, $0x0;
	s5 =	sld [smem:$0x3FB0]  }
0x2b: {  	s6 =	sld [smem:$0x3FB1]  }
0x2c: {  	s7 =	sld [smem:$0x3FB2]  }
0x2d: {  	s3 =	simm.s32 $0x108;
	s8 =	sld [smem:$0x3FB3]  }
0x2e: {  	s3 =	simm.s32 @!p0 $0x1082;
	s9 =	sld [smem:$0x3FB4]  }
0x2f: {  	lr =	sadd.s32 s0, s3;
	s0 =	sld [smem:$0x3FAB]  }
0x30: {  	s3 =	sld [smem:$0x3FAE]  }
0x31: {  	[smem:$0x3FB7] =	sst s10  }
0x32: {  	s10 =	sld [smem:$0x3FB5];
	_ =	sdelay $0x3  }
0x33: {  	p0 =	seq.s32 s10, $0x1;
	s10 =	sld [smem:$0x3FB7];
	_ =	sdelay $0x3  }
0x34: {  	[smem:$0x3FB7] =	sst s10  }
0x35: {  	s10 =	sld [smem:$0x3FB6];
	_ =	sdelay $0x3  }
0x36: {  	p1 =	seq.s32 s10, $0x1;
	s10 =	sld [smem:$0x3FB7];
	_ =	sdelay $0x3  }
0x37: {  	[smem:$0x3FB7] =	sst s10  }
0x38: {  	s10 =	sld [smem:$0x3FB8]  }
0x39: {  	_ = 	snop;
	(pc) =	sbr.ind lr, $3  }
0x3a: {  	_ = 	snop  }
0x3b: {  	_ = 	snop  }
0x3c: {  	p2 =	seq.s32 s10, $0x1;
	s10 =	sld [smem:$0x3FB7]  }
0x3d: {  	_ =	shalt  }
0x3e: {  	_ =	shalt  }
0x3f: {  	_ =	shalt  }
0x40: {  	_ =	shalt  }
0x41: {  	_ =	shalt  }
0x42: {  	_ =	shalt  }
0x43: {  	_ =	shalt  }
0x44: {  	_ =	shalt  }
0x45: {  	_ =	shalt  }
0x46: {  	_ =	shalt  }
0x47: {  	_ =	shalt  }
0x48: {  	_ =	shalt  }
0x49: {  	_ =	shalt  }
0x4a: {  	_ =	shalt  }
0x4b: {  	_ =	shalt  }
0x4c: {  	_ =	shalt  }
0x4d: {  	_ =	shalt  }
0x4e: {  	_ =	shalt  }
0x4f: {  	_ =	shalt  }
0x50: {  	_ =	shalt  }
0x51: {  	_ =	shalt  }
0x52: {  	_ =	shalt  }
0x53: {  	_ =	shalt  }
0x54: {  	_ =	shalt  }
0x55: {  	_ =	shalt  }
0x56: {  	_ =	shalt  }
0x57: {  	_ =	shalt  }
0x58: {  	_ =	shalt  }
0x59: {  	_ =	shalt  }
0x5a: {  	_ =	shalt  }
0x5b: {  	_ =	shalt  }
0x5c: {  	_ =	shalt  }
0x5d: {  	_ =	shalt  }
0x5e: {  	_ =	shalt  }
0x5f: {  	_ =	shalt  }
0x60: {  	_ =	shalt  }
0x61: {  	_ =	shalt  }
0x62: {  	_ =	shalt  }
0x63: {  	_ =	shalt  }
0x64: {  	_ =	shalt  }
0x65: {  	_ =	shalt  }
0x66: {  	_ =	shalt  }
0x67: {  	_ =	shalt  }
0x68: {  	_ =	shalt  }
0x69: {  	_ =	shalt  }
0x6a: {  	_ =	shalt  }
0x6b: {  	_ =	shalt  }
0x6c: {  	_ =	shalt  }
0x6d: {  	_ =	shalt  }
0x6e: {  	_ =	shalt  }
0x6f: {  	_ =	shalt  }
0x70: {  	_ =	shalt  }
0x71: {  	_ =	shalt  }
0x72: {  	_ =	shalt  }
0x73: {  	_ =	shalt  }
0x74: {  	_ =	shalt  }
0x75: {  	_ =	shalt  }
0x76: {  	_ =	shalt  }
0x77: {  	_ =	shalt  }
0x78: {  	_ =	shalt  }
0x79: {  	_ =	shalt  }
0x7a: {  	_ =	shalt  }
0x7b: {  	_ =	shalt  }
0x7c: {  	_ =	shalt  }
0x7d: {  	_ =	shalt  }
0x7e: {  	_ =	shalt  }
0x7f: {  	_ =	shalt  }
0x80: {  	_ =	shalt  }
0x81: {  	_ =	shalt  }
0x82: {  	_ =	shalt  }
0x83: {  	_ =	shalt  }
0x84: {  	_ =	shalt  }
0x85: {  	_ =	shalt  }
0x86: {  	_ =	shalt  }
0x87: {  	_ =	shalt  }
.Lfunc_end0:
.L_simem_size_0:
called_computation.1_lowered:
.L_overlay_start_0:
0x88: {  	s2 =	sld [smem:$0x3FD9]  }
0x89: {  	s3 =	sld [smem:$0x3FFE];
	_ =	sdelay $0x1  }
0x8a: {  	s1 =	srdreg.scid  }
0x8b: {  	s0 =	sand.u32 $0x1, s1  }
0x8c: {  	s17 =	sshll.u32 s0, $0xA;
	s2 =	sadd.s32 s3, s2  }
0x8d: {  	s2 =	sadd.s32 s2, s17  }
0x8e: {  	[smem:$0x3FC3] =	sst s2  }
0x8f: {  	_ = 	snop  }
0x90: {  	s2 =	sld [smem:$0x3FD0];
	(tm) =	ssettm $0x1  }
0x91: {  	s18 =	sld [smem:$0x3FFB];
	_ =	sdelay $0x3  }
0x92: {  	_ =	strace s18  }
0x93: {  	s3 =	sld [smem:$0x3FFC];
	_ =	sdelay $0x3  }
0x94: {  	_ =	strace s3  }
0x95: {  	s3 =	sld [smem:$0x3FFD];
	_ =	sdelay $0x3  }
0x96: {  	_ =	strace s3  }
0x97: {  	_ =	strace $0x8FFFFFFF  }
0x98: {  	s19 =	sld [smem:$0x3FDB];
	_ =	sdelay $0x1  }
0x99: {  	s4 =	simm.s32 $_scs_section_size  }
0x9a: {  	s5 =	simm.s32 $_size__tile_overlayer_lowered;
	s6 =	simm.s32 $_tile_overlayer_lowered  }
0x9b: {  	s22 =	simm.s32 $0x1BFF;
	s21 =	sshll.u32 s6, $0x1;
	s3 =	sadd.s32 s4, s19  }
0x9c: {  	s7 =	simm.s32 $0x0;
	s20 =	sshll.u32 s5, $0x1;
	s5 =	sadd.s32 s21, s3  }
0x9d: {  	[timem:s7], [sflag:s22] =	dma.local [hbm:s5], s20  }
0x9e: {  	_ =	swait.ge [sflag:s22], s20  }
0x9f: {  	s4 =	ssub.s32 $0x0, s20;
	[sflag:s22] =	ssyncset.done $0x0  }
0xa0: {  	[sflag:s22] =	ssyncadd.s32 s4;
	_ =	sdelay $0x1  }
0xa1: {  	s23 =	simm.s32 $0x1B8B  }
0xa2: {  	_ =	swait.ge [sflag:s23], $0x1  }
0xa3: {  	[sflag:s23] =	ssyncset.done $0x0  }
0xa4: {  	s25 =	simm.s32 $0x1B8E;
	s24 =	sld [smem:$0x3FFE];
	[sflag:s23] =	ssyncadd.s32 $0xFFFFFFFF  }
0xa5: {  	s26 =	simm.s32 $execute0_lowered;
	[smem:$0x3FD2] =	sst s25  }
0xa6: {  	s5 =	sshll.u32 s26, $0x1;
	_ =	strace $0x80000046;
	[dreg:$0x1] =	wrdreg $0xFFFFFFFF  }
0xa7: {  	s28 =	simm.s32 $_size_execute0_lowered;
	s3 =	sadd.s32 s3, s5;
	[dreg:$0x0] =	wrdreg $0x0  }
0xa8: {  	s5 =	sshll.u32 s28, $0x1;
	[dreg:$0x2] =	wrdreg s3  }
0xa9: {  	[dreg:$0x3] =	wrdreg s5  }
0xaa: {  	[dreg:$0x4] =	wrdreg $0xC0  }
0xab: {  	_ =	task [dreg:s7], $0x5FFFF  }
0xac: {  	[dreg:$0x1] =	wrdreg $0xFFFFFFFF  }
0xad: {  	[dreg:$0x0] =	wrdreg $0x60  }
0xae: {  	[dreg:$0x2] =	wrdreg s2  }
0xaf: {  	[dreg:$0x3] =	wrdreg s24  }
0xb0: {  	[dreg:$0x4] =	wrdreg $0x9  }
0xb1: {  	_ =	task.clear_ibuf [dreg:s7], $0x5FFFF;
	_ =	strace $0x90000046  }
0xb2: {  	s29 =	simm.s32 $0x9;
	_ =	strace $0x80000048  }
0xb3: {  	_ =	swait.ge [sflag:s29], $0x1  }
0xb4: {  	[sflag:s29] =	ssyncadd.s32 $0xFFFFFFFF  }
0xb5: {  	_ =	strace $0x90000048  }
0xb6: {  	_ =	sfence  }
0xb7: {  	s30 =	sld [smem:$0x0];
	_ =	sdelay $0x2  }
0xb8: {  	s31 =	sshll.u32 s1, $0xD;
	s1 =	sshrl.u32 s1, $0x2  }
0xb9: {  	s3 =	sand.u32 $0x4000, s31;
	s1 =	sadd.s32 s1, s30  }
0xba: {  	s0 =	sor.u32 s3, s0;
	s1 =	sshll.u32 s1, $0x11  }
0xbb: {  	s0 =	sor.u32 s1, s0  }
0xbc: {  	s0 =	sadd.s32 $0x8F2B, s0  }
0xbd: {  	[sflag:s0] =	ssyncadd.remote.s32 $0x1  }
0xbe: {  	_ =	sfence.sel $0xFFFF  }
0xbf: {  	[dreg:$0x0] =	wrdreg $0xFFFFFFFF;
	(pc) =	sbr.abs _section_cstart, $3  }
0xc0: {  	[dreg:$0x1] =	wrdreg $0xFFFFFFFF  }
0xc1: {  	_ =	task.clear_ibuf [dreg:s7], $0x2FFFF;
	_ =	strace $0x9FFFFFFF  }
0xc2: {  	(tm) =	ssettm $0x7FFFFFFF  }
0xc3: {  	_ =	shalt  }
tec
execute0_lowered:
.L_overlay_start_1:
0x0: {  	(tag) =	ssettag $0x1  }
0x1: {  	s1 =	rddreg [dreg:$0x0]  }
0x2: {  	s0 =	rddreg [dreg:$0x1];
	s3 =	simm.s32 $0x0  }
0x3: {  	s2 =	srdreg.scid;
	s7 =	stileid.u32;
	s10 =	simm.s32 $0x2  }
0x4: {  	s11 =	simm.s32 $0x80;
	s12 =	simm.s32 $0x500;
	s13 =	simm.s32 $0x2500  }
0x5: {  	s14 =	simm.s32 $0x100;
	s15 =	simm.s32 $0x4500;
	s16 =	simm.s32 $0x180  }
0x6: {  	s17 =	simm.s32 $0x6500;
	s18 =	simm.s32 $0x200;
	s19 =	simm.s32 $0x8500  }
0x7: {  	s20 =	simm.s32 $0x280;
	s21 =	simm.s32 $0xA500;
	s22 =	simm.s32 $0x300  }
0x8: {  	s23 =	simm.s32 $0xC500;
	s28 =	simm.s32 $0x10500;
	s5 =	smul.u32 $0xC800, s7  }
0x9: {  	s29 =	simm.s32 $0x480;
	s2 =	sand.u32 $0x1, s2;
	s7 =	smul.u32 $0x64000, s7  }
0xa: {  	s30 =	simm.s32 $0x12500;
	s31 =	simm.s32 $0x1;
	s6 =	smul.u32 $0x6400, s2  }
0xb: {  	[smem:$0x7FF] =	sst s3;
	s24 =	ssub.s32 $0x2, s2;
	s2 =	smul.u32 $0x32000, s2  }
0xc: {  	s4 =	sadd.s32 $0xF74E00, s0;
	_ =	strace $0x80000047;
	s7 =	sadd.s32 s7, s0  }
0xd: {  	s8 =	sshrl.u32 s24, $0x1;
	s5 =	sadd.s32 s6, s5;
	s2 =	sadd.s32 s2, s7  }
0xe: {  	s25 =	ssub.s32 s24, s8;
	s24 =	simm.s32 $0x380;
	s26 =	sadd.s32 $0x32A00, s2  }
0xf: {  	s5 =	sshrl.u32 s5, $0x3;
	s2 =	sadd.s32 $0x672A00, s2;
	[dreg:$0x4] =	wrdreg s26  }
0x10: {  	s0 =	sadd.s32 s5, s0;
	s5 =	smax.u32 s25, $0x1;
	[dreg:$0x5] =	wrdreg s2  }
0x11: {  	s25 =	simm.s32 $0xE500;
	s26 =	simm.s32 $0x400;
	[dreg:$0x3] =	wrdreg s5  }
0x12: {  	s7 =	sadd.s32 $0xA00, s0;
	s9 =	sadd.s32 $0x19A00, s0;
	s5 =	simm.s32 $0x0  }
.LBB2_1:
0x13: {  	[dreg:$0x6] =	wrdreg s5;
	s2 =	sadd.s32 $0x0, s7  }
0x14: {  	[tilespmem:s3], [sflag:$0x2] =	stream.linear.gather [hbm4b:s2+s3], $0x500, $0x38;
	[tilespmem:$0x14500] =	vst v63  }
0x15: {  	_ =	swait.ge [sflag:s10], $0x500  }
0x16: {  	[sflag:s10] =	ssyncset.done $0x0  }
0x17: {  	[sflag:s10] =	ssyncadd.s32 $0xFFFFFB00  }
0x18: {  	[tilespmem:s12], [sflag:$0x1] =	stream.indirect.gather [hbm4b:s1+s11], $0x40, s3, s11, $0xb8;
	[tilespmem:$0x14500] =	vst v63  }
0x19: {  	_ = 	snop  }
0x1a: {  	[tilespmem:s13], [sflag:$0x1] =	stream.indirect.gather [hbm4b:s1+s11], $0x40, s11, s11, $0xb8;
	[tilespmem:$0x14500] =	vst v63  }
0x1b: {  	_ = 	snop  }
0x1c: {  	[tilespmem:s15], [sflag:$0x1] =	stream.indirect.gather [hbm4b:s1+s11], $0x40, s14, s11, $0xb8;
	[tilespmem:$0x14500] =	vst v63  }
0x1d: {  	_ = 	snop  }
0x1e: {  	[tilespmem:s17], [sflag:$0x1] =	stream.indirect.gather [hbm4b:s1+s11], $0x40, s16, s11, $0xb8;
	[tilespmem:$0x14500] =	vst v63  }
0x1f: {  	_ = 	snop  }
0x20: {  	[tilespmem:s19], [sflag:$0x1] =	stream.indirect.gather [hbm4b:s1+s11], $0x40, s18, s11, $0xb8;
	[tilespmem:$0x14500] =	vst v63  }
0x21: {  	_ = 	snop  }
0x22: {  	[tilespmem:s21], [sflag:$0x1] =	stream.indirect.gather [hbm4b:s1+s11], $0x40, s20, s11, $0xb8;
	[tilespmem:$0x14500] =	vst v63  }
0x23: {  	_ = 	snop  }
0x24: {  	[tilespmem:s23], [sflag:$0x1] =	stream.indirect.gather [hbm4b:s1+s11], $0x40, s22, s11, $0xb8;
	[tilespmem:$0x14500] =	vst v63  }
0x25: {  	_ = 	snop  }
0x26: {  	[tilespmem:s25], [sflag:$0x1] =	stream.indirect.gather [hbm4b:s1+s11], $0x40, s24, s11, $0xb8;
	[tilespmem:$0x14500] =	vst v63  }
0x27: {  	_ = 	snop  }
0x28: {  	[tilespmem:s28], [sflag:$0x1] =	stream.indirect.gather [hbm4b:s1+s11], $0x40, s26, s11, $0xb8;
	[tilespmem:$0x14500] =	vst v63  }
0x29: {  	_ = 	snop  }
0x2a: {  	[tilespmem:s30], [sflag:$0x1] =	stream.indirect.gather [hbm4b:s1+s11], $0x40, s29, s11, $0xb8;
	[tilespmem:$0x14500] =	vst v63  }
0x2b: {  	_ =	swait.ge [sflag:s31], $0x2000  }
0x2c: {  	[sflag:s31] =	ssyncset.done $0x0  }
0x2d: {  	[sflag:s31] =	ssyncadd.s32 $0xFFFFE000  }
0x2e: {  	_ =	swait.ge [sflag:s31], $0x2000  }
0x2f: {  	[sflag:s31] =	ssyncset.done $0x0  }
0x30: {  	[sflag:s31] =	ssyncadd.s32 $0xFFFFE000  }
0x31: {  	_ =	swait.ge [sflag:s31], $0x2000  }
0x32: {  	[sflag:s31] =	ssyncset.done $0x0  }
0x33: {  	[sflag:s31] =	ssyncadd.s32 $0xFFFFE000  }
0x34: {  	_ =	swait.ge [sflag:s31], $0x2000  }
0x35: {  	[sflag:s31] =	ssyncset.done $0x0  }
0x36: {  	[sflag:s31] =	ssyncadd.s32 $0xFFFFE000  }
0x37: {  	_ =	swait.ge [sflag:s31], $0x2000  }
0x38: {  	[sflag:s31] =	ssyncset.done $0x0  }
0x39: {  	[sflag:s31] =	ssyncadd.s32 $0xFFFFE000  }
0x3a: {  	_ =	swait.ge [sflag:s31], $0x2000  }
0x3b: {  	[sflag:s31] =	ssyncset.done $0x0  }
0x3c: {  	[sflag:s31] =	ssyncadd.s32 $0xFFFFE000  }
0x3d: {  	_ =	swait.ge [sflag:s31], $0x2000  }
0x3e: {  	[sflag:s31] =	ssyncset.done $0x0  }
0x3f: {  	[sflag:s31] =	ssyncadd.s32 $0xFFFFE000  }
0x40: {  	_ =	swait.ge [sflag:s31], $0x2000  }
0x41: {  	[sflag:s31] =	ssyncset.done $0x0  }
0x42: {  	[sflag:s31] =	ssyncadd.s32 $0xFFFFE000  }
0x43: {  	_ =	swait.ge [sflag:s31], $0x2000  }
0x44: {  	[sflag:s31] =	ssyncset.done $0x0  }
0x45: {  	[sflag:s31] =	ssyncadd.s32 $0xFFFFE000  }
0x46: {  	_ =	swait.ge [sflag:s31], $0x2000  }
0x47: {  	[sflag:s31] =	ssyncset.done $0x0  }
0x48: {  	s0 =	rddreg [dreg:$0x4];
	[sflag:s31] =	ssyncadd.s32 $0xFFFFE000  }
0x49: {  	[hbm4b:s0+s3] =	stream.linear.scatter [tilespmem:s12], [sflag:$0x2], $0x14000, $0x38;
	[tilespmem:$0x14500] =	vst v63  }
0x4a: {  	s5 =	sadd.s32 $0xA0, s7;
	_ =	swait.ge [sflag:s10], $0x14000  }
0x4b: {  	s8 =	simm.s32 $0x140;
	s6 =	sadd.s32 $0x2800, s0;
	[sflag:s10] =	ssyncset.done $0x0  }
.LBB2_2:
0x4c: {  	s0 =	sadd.s32 s8, s7;
	s2 =	simm.s32 $0x0;
	[sflag:s10] =	ssyncadd.s32 $0xFFFEC000  }
0x4d: {  	[tilespmem:s2], [sflag:$0x2] =	stream.linear.gather [hbm4b:s5+s2], $0x500, $0x38;
	[tilespmem:$0x14500] =	vst v63  }
0x4e: {  	p0 =	sne.s32 s8, $0xBE0;
	s8 =	sadd.s32 $0xA0, s8;
	_ =	swait.ge [sflag:s10], $0x500  }
0x4f: {  	s5 =	smov.u32 s0;
	[sflag:s10] =	ssyncset.done $0x0  }
0x50: {  	[sflag:s10] =	ssyncadd.s32 $0xFFFFFB00  }
0x51: {  	[tilespmem:s12], [sflag:$0x1] =	stream.indirect.gather [hbm4b:s1+s11], $0x40, s2, s11, $0xb8;
	[tilespmem:$0x14500] =	vst v63  }
0x52: {  	_ = 	snop  }
0x53: {  	[tilespmem:s13], [sflag:$0x1] =	stream.indirect.gather [hbm4b:s1+s11], $0x40, s11, s11, $0xb8;
	[tilespmem:$0x14500] =	vst v63  }
0x54: {  	_ = 	snop  }
0x55: {  	[tilespmem:s15], [sflag:$0x1] =	stream.indirect.gather [hbm4b:s1+s11], $0x40, s14, s11, $0xb8;
	[tilespmem:$0x14500] =	vst v63  }
0x56: {  	_ = 	snop  }
0x57: {  	[tilespmem:s17], [sflag:$0x1] =	stream.indirect.gather [hbm4b:s1+s11], $0x40, s16, s11, $0xb8;
	[tilespmem:$0x14500] =	vst v63  }
0x58: {  	_ = 	snop  }
0x59: {  	[tilespmem:s19], [sflag:$0x1] =	stream.indirect.gather [hbm4b:s1+s11], $0x40, s18, s11, $0xb8;
	[tilespmem:$0x14500] =	vst v63  }
0x5a: {  	_ = 	snop  }
0x5b: {  	[tilespmem:s21], [sflag:$0x1] =	stream.indirect.gather [hbm4b:s1+s11], $0x40, s20, s11, $0xb8;
	[tilespmem:$0x14500] =	vst v63  }
0x5c: {  	_ = 	snop  }
0x5d: {  	[tilespmem:s23], [sflag:$0x1] =	stream.indirect.gather [hbm4b:s1+s11], $0x40, s22, s11, $0xb8;
	[tilespmem:$0x14500] =	vst v63  }
0x5e: {  	_ = 	snop  }
0x5f: {  	[tilespmem:s25], [sflag:$0x1] =	stream.indirect.gather [hbm4b:s1+s11], $0x40, s24, s11, $0xb8;
	[tilespmem:$0x14500] =	vst v63  }
0x60: {  	_ = 	snop  }
0x61: {  	[tilespmem:s28], [sflag:$0x1] =	stream.indirect.gather [hbm4b:s1+s11], $0x40, s26, s11, $0xb8;
	[tilespmem:$0x14500] =	vst v63  }
0x62: {  	_ = 	snop  }
0x63: {  	[tilespmem:s30], [sflag:$0x1] =	stream.indirect.gather [hbm4b:s1+s11], $0x40, s29, s11, $0xb8;
	[tilespmem:$0x14500] =	vst v63  }
0x64: {  	_ =	swait.ge [sflag:s31], $0x2000  }
0x65: {  	[sflag:s31] =	ssyncset.done $0x0  }
0x66: {  	[sflag:s31] =	ssyncadd.s32 $0xFFFFE000  }
0x67: {  	_ =	swait.ge [sflag:s31], $0x2000  }
0x68: {  	[sflag:s31] =	ssyncset.done $0x0  }
0x69: {  	[sflag:s31] =	ssyncadd.s32 $0xFFFFE000  }
0x6a: {  	_ =	swait.ge [sflag:s31], $0x2000  }
0x6b: {  	[sflag:s31] =	ssyncset.done $0x0  }
0x6c: {  	[sflag:s31] =	ssyncadd.s32 $0xFFFFE000  }
0x6d: {  	_ =	swait.ge [sflag:s31], $0x2000  }
0x6e: {  	[sflag:s31] =	ssyncset.done $0x0  }
0x6f: {  	[sflag:s31] =	ssyncadd.s32 $0xFFFFE000  }
0x70: {  	_ =	swait.ge [sflag:s31], $0x2000  }
0x71: {  	[sflag:s31] =	ssyncset.done $0x0  }
0x72: {  	[sflag:s31] =	ssyncadd.s32 $0xFFFFE000  }
0x73: {  	_ =	swait.ge [sflag:s31], $0x2000  }
0x74: {  	[sflag:s31] =	ssyncset.done $0x0  }
0x75: {  	[sflag:s31] =	ssyncadd.s32 $0xFFFFE000  }
0x76: {  	_ =	swait.ge [sflag:s31], $0x2000  }
0x77: {  	[sflag:s31] =	ssyncset.done $0x0  }
0x78: {  	[sflag:s31] =	ssyncadd.s32 $0xFFFFE000  }
0x79: {  	_ =	swait.ge [sflag:s31], $0x2000  }
0x7a: {  	[sflag:s31] =	ssyncset.done $0x0  }
0x7b: {  	[sflag:s31] =	ssyncadd.s32 $0xFFFFE000  }
0x7c: {  	_ =	swait.ge [sflag:s31], $0x2000  }
0x7d: {  	[sflag:s31] =	ssyncset.done $0x0  }
0x7e: {  	[sflag:s31] =	ssyncadd.s32 $0xFFFFE000  }
0x7f: {  	_ =	swait.ge [sflag:s31], $0x2000  }
.Ltmp0:
0x80: {  	[sflag:s31] =	ssyncset.done $0x0;
	(pc) =	sbr.rel @p0 .LBB2_2-.Ltmp0, $4  }
0x81: {  	[sflag:s31] =	ssyncadd.s32 $0xFFFFE000  }
0x82: {  	[hbm4b:s6+s2] =	stream.linear.scatter [tilespmem:s12], [sflag:$0x2], $0x14000, $0x38;
	[tilespmem:$0x14500] =	vst v63  }
0x83: {  	_ =	swait.ge [sflag:s10], $0x14000  }
0x84: {  	s6 =	sadd.s32 $0x2800, s6;
	[sflag:s10] =	ssyncset.done $0x0  }
0x85: {  	[sflag:s10] =	ssyncadd.s32 $0xFFFEC000  }
0x86: {  	[tilespmem:s2], [sflag:$0x2] =	stream.linear.gather [hbm4b:s5+s2], $0x500, $0x38;
	[tilespmem:$0x14500] =	vst v63  }
0x87: {  	_ =	swait.ge [sflag:s10], $0x500  }
0x88: {  	[sflag:s10] =	ssyncset.done $0x0  }
0x89: {  	[sflag:s10] =	ssyncadd.s32 $0xFFFFFB00  }
0x8a: {  	[tilespmem:s12], [sflag:$0x1] =	stream.indirect.gather [hbm4b:s1+s11], $0x40, s2, s11, $0xb8;
	[tilespmem:$0x14500] =	vst v63  }
0x8b: {  	_ = 	snop  }
0x8c: {  	[tilespmem:s13], [sflag:$0x1] =	stream.indirect.gather [hbm4b:s1+s11], $0x40, s11, s11, $0xb8;
	[tilespmem:$0x14500] =	vst v63  }
0x8d: {  	_ = 	snop  }
0x8e: {  	[tilespmem:s15], [sflag:$0x1] =	stream.indirect.gather [hbm4b:s1+s11], $0x40, s14, s11, $0xb8;
	[tilespmem:$0x14500] =	vst v63  }
0x8f: {  	_ = 	snop  }
0x90: {  	[tilespmem:s17], [sflag:$0x1] =	stream.indirect.gather [hbm4b:s1+s11], $0x40, s16, s11, $0xb8;
	[tilespmem:$0x14500] =	vst v63  }
0x91: {  	_ = 	snop  }
0x92: {  	[tilespmem:s19], [sflag:$0x1] =	stream.indirect.gather [hbm4b:s1+s11], $0x40, s18, s11, $0xb8;
	[tilespmem:$0x14500] =	vst v63  }
0x93: {  	_ = 	snop  }
0x94: {  	[tilespmem:s21], [sflag:$0x1] =	stream.indirect.gather [hbm4b:s1+s11], $0x40, s20, s11, $0xb8;
	[tilespmem:$0x14500] =	vst v63  }
0x95: {  	_ = 	snop  }
0x96: {  	[tilespmem:s23], [sflag:$0x1] =	stream.indirect.gather [hbm4b:s1+s11], $0x40, s22, s11, $0xb8;
	[tilespmem:$0x14500] =	vst v63  }
0x97: {  	_ = 	snop  }
0x98: {  	[tilespmem:s25], [sflag:$0x1] =	stream.indirect.gather [hbm4b:s1+s11], $0x40, s24, s11, $0xb8;
	[tilespmem:$0x14500] =	vst v63  }
0x99: {  	_ = 	snop  }
0x9a: {  	[tilespmem:s28], [sflag:$0x1] =	stream.indirect.gather [hbm4b:s1+s11], $0x40, s26, s11, $0xb8;
	[tilespmem:$0x14500] =	vst v63  }
0x9b: {  	_ = 	snop  }
0x9c: {  	[tilespmem:s30], [sflag:$0x1] =	stream.indirect.gather [hbm4b:s1+s11], $0x40, s29, s11, $0xb8;
	[tilespmem:$0x14500] =	vst v63  }
0x9d: {  	_ =	swait.ge [sflag:s31], $0x2000  }
0x9e: {  	[sflag:s31] =	ssyncset.done $0x0  }
0x9f: {  	[sflag:s31] =	ssyncadd.s32 $0xFFFFE000  }
0xa0: {  	_ =	swait.ge [sflag:s31], $0x2000  }
0xa1: {  	[sflag:s31] =	ssyncset.done $0x0  }
0xa2: {  	[sflag:s31] =	ssyncadd.s32 $0xFFFFE000  }
0xa3: {  	_ =	swait.ge [sflag:s31], $0x2000  }
0xa4: {  	[sflag:s31] =	ssyncset.done $0x0  }
0xa5: {  	[sflag:s31] =	ssyncadd.s32 $0xFFFFE000  }
0xa6: {  	_ =	swait.ge [sflag:s31], $0x2000  }
0xa7: {  	[sflag:s31] =	ssyncset.done $0x0  }
0xa8: {  	[sflag:s31] =	ssyncadd.s32 $0xFFFFE000  }
0xa9: {  	_ =	swait.ge [sflag:s31], $0x2000  }
0xaa: {  	[sflag:s31] =	ssyncset.done $0x0  }
0xab: {  	[sflag:s31] =	ssyncadd.s32 $0xFFFFE000  }
0xac: {  	_ =	swait.ge [sflag:s31], $0x2000  }
0xad: {  	[sflag:s31] =	ssyncset.done $0x0  }
0xae: {  	[sflag:s31] =	ssyncadd.s32 $0xFFFFE000  }
0xaf: {  	_ =	swait.ge [sflag:s31], $0x2000  }
0xb0: {  	[sflag:s31] =	ssyncset.done $0x0  }
0xb1: {  	[sflag:s31] =	ssyncadd.s32 $0xFFFFE000  }
0xb2: {  	_ =	swait.ge [sflag:s31], $0x2000  }
0xb3: {  	[sflag:s31] =	ssyncset.done $0x0  }
0xb4: {  	[sflag:s31] =	ssyncadd.s32 $0xFFFFE000  }
0xb5: {  	_ =	swait.ge [sflag:s31], $0x2000  }
0xb6: {  	[sflag:s31] =	ssyncset.done $0x0  }
0xb7: {  	[sflag:s31] =	ssyncadd.s32 $0xFFFFE000  }
0xb8: {  	_ =	swait.ge [sflag:s31], $0x2000  }
0xb9: {  	p1 =	por $0x1, $0x1;
	[sflag:s31] =	ssyncset.done $0x0  }
.Ltmp1:
0xba: {  	[sflag:s31] =	ssyncadd.s32 $0xFFFFE000;
	(pc) =	sbr.rel @!p1 .LBB2_8-.Ltmp1, $4  }
0xbb: {  	[hbm4b:s6+s2] =	stream.linear.scatter [tilespmem:s12], [sflag:$0x2], $0x14000, $0x38;
	[tilespmem:$0x14500] =	vst v63  }
0xbc: {  	_ =	swait.ge [sflag:s10], $0x14000  }
0xbd: {  	p0 =	por $0x0, $0x0;
	[sflag:s10] =	ssyncset.done $0x0;
	s8 =	rddreg [dreg:$0x5]  }
0xbe: {  	s6 =	simm.s32 $0xA0;
	s5 =	rddreg [dreg:$0x6];
	[sflag:s10] =	ssyncadd.s32 $0xFFFEC000  }
0xbf: {  	s0 =	sadd.s32 $0x0, s9  }
0xc0: {  	[tilespmem:s3], [sflag:$0x2] =	stream.linear.gather [hbm4b:s0+s3], $0x500, $0x38;
	[tilespmem:$0x14500] =	vst v63  }
0xc1: {  	_ =	swait.ge [sflag:s10], $0x500  }
0xc2: {  	[sflag:s10] =	ssyncset.done $0x0  }
0xc3: {  	[sflag:s10] =	ssyncadd.s32 $0xFFFFFB00  }
0xc4: {  	[tilespmem:s12], [sflag:$0x1] =	stream.indirect.gather [hbm4b:s4+s11], $0x40, s3, s11, $0xb8;
	[tilespmem:$0x14500] =	vst v63  }
0xc5: {  	_ = 	snop  }
0xc6: {  	[tilespmem:s13], [sflag:$0x1] =	stream.indirect.gather [hbm4b:s4+s11], $0x40, s11, s11, $0xb8;
	[tilespmem:$0x14500] =	vst v63  }
0xc7: {  	_ = 	snop  }
0xc8: {  	[tilespmem:s15], [sflag:$0x1] =	stream.indirect.gather [hbm4b:s4+s11], $0x40, s14, s11, $0xb8;
	[tilespmem:$0x14500] =	vst v63  }
0xc9: {  	_ = 	snop  }
0xca: {  	[tilespmem:s17], [sflag:$0x1] =	stream.indirect.gather [hbm4b:s4+s11], $0x40, s16, s11, $0xb8;
	[tilespmem:$0x14500] =	vst v63  }
0xcb: {  	_ = 	snop  }
0xcc: {  	[tilespmem:s19], [sflag:$0x1] =	stream.indirect.gather [hbm4b:s4+s11], $0x40, s18, s11, $0xb8;
	[tilespmem:$0x14500] =	vst v63  }
0xcd: {  	_ = 	snop  }
0xce: {  	[tilespmem:s21], [sflag:$0x1] =	stream.indirect.gather [hbm4b:s4+s11], $0x40, s20, s11, $0xb8;
	[tilespmem:$0x14500] =	vst v63  }
0xcf: {  	_ = 	snop  }
0xd0: {  	[tilespmem:s23], [sflag:$0x1] =	stream.indirect.gather [hbm4b:s4+s11], $0x40, s22, s11, $0xb8;
	[tilespmem:$0x14500] =	vst v63  }
0xd1: {  	_ = 	snop  }
0xd2: {  	[tilespmem:s25], [sflag:$0x1] =	stream.indirect.gather [hbm4b:s4+s11], $0x40, s24, s11, $0xb8;
	[tilespmem:$0x14500] =	vst v63  }
0xd3: {  	_ = 	snop  }
0xd4: {  	[tilespmem:s28], [sflag:$0x1] =	stream.indirect.gather [hbm4b:s4+s11], $0x40, s26, s11, $0xb8;
	[tilespmem:$0x14500] =	vst v63  }
0xd5: {  	_ = 	snop  }
0xd6: {  	[tilespmem:s30], [sflag:$0x1] =	stream.indirect.gather [hbm4b:s4+s11], $0x40, s29, s11, $0xb8;
	[tilespmem:$0x14500] =	vst v63  }
0xd7: {  	_ =	swait.ge [sflag:s31], $0x2000  }
0xd8: {  	[sflag:s31] =	ssyncset.done $0x0  }
0xd9: {  	[sflag:s31] =	ssyncadd.s32 $0xFFFFE000  }
0xda: {  	_ =	swait.ge [sflag:s31], $0x2000  }
0xdb: {  	[sflag:s31] =	ssyncset.done $0x0  }
0xdc: {  	[sflag:s31] =	ssyncadd.s32 $0xFFFFE000  }
0xdd: {  	_ =	swait.ge [sflag:s31], $0x2000  }
0xde: {  	[sflag:s31] =	ssyncset.done $0x0  }
0xdf: {  	[sflag:s31] =	ssyncadd.s32 $0xFFFFE000  }
0xe0: {  	_ =	swait.ge [sflag:s31], $0x2000  }
0xe1: {  	[sflag:s31] =	ssyncset.done $0x0  }
0xe2: {  	[sflag:s31] =	ssyncadd.s32 $0xFFFFE000  }
0xe3: {  	_ =	swait.ge [sflag:s31], $0x2000  }
0xe4: {  	[sflag:s31] =	ssyncset.done $0x0  }
0xe5: {  	[sflag:s31] =	ssyncadd.s32 $0xFFFFE000  }
0xe6: {  	_ =	swait.ge [sflag:s31], $0x2000  }
0xe7: {  	[sflag:s31] =	ssyncset.done $0x0  }
0xe8: {  	[sflag:s31] =	ssyncadd.s32 $0xFFFFE000  }
0xe9: {  	_ =	swait.ge [sflag:s31], $0x2000  }
0xea: {  	[sflag:s31] =	ssyncset.done $0x0  }
0xeb: {  	[sflag:s31] =	ssyncadd.s32 $0xFFFFE000  }
0xec: {  	_ =	swait.ge [sflag:s31], $0x2000  }
0xed: {  	[sflag:s31] =	ssyncset.done $0x0  }
0xee: {  	[sflag:s31] =	ssyncadd.s32 $0xFFFFE000  }
0xef: {  	_ =	swait.ge [sflag:s31], $0x2000  }
0xf0: {  	[sflag:s31] =	ssyncset.done $0x0  }
0xf1: {  	[sflag:s31] =	ssyncadd.s32 $0xFFFFE000  }
0xf2: {  	p1 =	por $0x1, $0x1;
	_ =	swait.ge [sflag:s31], $0x2000  }
.Ltmp2:
0xf3: {  	[sflag:s31] =	ssyncset.done $0x0;
	(pc) =	sbr.rel @!p1 .LBB2_5-.Ltmp2, $4  }
0xf4: {  	s8 =	rddreg [dreg:$0x5];
	[sflag:s31] =	ssyncadd.s32 $0xFFFFE000  }
0xf5: {  	[hbm4b:s8+s3] =	stream.linear.scatter [tilespmem:s12], [sflag:$0x2], $0x14000, $0x38;
	[tilespmem:$0x14500] =	vst v63  }
0xf6: {  	s5 =	simm.s32 $0x140;
	_ =	swait.ge [sflag:s10], $0x14000  }
0xf7: {  	p0 =	por $0x1, $0x1;
	s8 =	sadd.s32 $0x2800, s8;
	[sflag:s10] =	ssyncset.done $0x0  }
.LBB2_6:
0xf8: {  	s0 =	sadd.s32 s6, s9  }
0xf9: {  	[sflag:s10] =	ssyncadd.s32 $0xFFFEC000;
	s6 =	smov.u32 s5;
	s2 =	sadd.s32 $0xA0, s5  }
0xfa: {  	[tilespmem:s3], [sflag:$0x2] =	stream.linear.gather [hbm4b:s0+s3], $0x500, $0x38;
	[tilespmem:$0x14500] =	vst v63  }
0xfb: {  	p1 =	sne.s32 s5, $0xBE0;
	_ =	swait.ge [sflag:s10], $0x500  }
0xfc: {  	[sflag:s10] =	ssyncset.done $0x0  }
0xfd: {  	[sflag:s10] =	ssyncadd.s32 $0xFFFFFB00  }
0xfe: {  	[tilespmem:s12], [sflag:$0x1] =	stream.indirect.gather [hbm4b:s4+s11], $0x40, s3, s11, $0xb8;
	[tilespmem:$0x14500] =	vst v63  }
0xff: {  	_ = 	snop  }
0x100: {  	[tilespmem:s13], [sflag:$0x1] =	stream.indirect.gather [hbm4b:s4+s11], $0x40, s11, s11, $0xb8;
	[tilespmem:$0x14500] =	vst v63  }
0x101: {  	_ = 	snop  }
0x102: {  	[tilespmem:s15], [sflag:$0x1] =	stream.indirect.gather [hbm4b:s4+s11], $0x40, s14, s11, $0xb8;
	[tilespmem:$0x14500] =	vst v63  }
0x103: {  	_ = 	snop  }
0x104: {  	[tilespmem:s17], [sflag:$0x1] =	stream.indirect.gather [hbm4b:s4+s11], $0x40, s16, s11, $0xb8;
	[tilespmem:$0x14500] =	vst v63  }
0x105: {  	_ = 	snop  }
0x106: {  	[tilespmem:s19], [sflag:$0x1] =	stream.indirect.gather [hbm4b:s4+s11], $0x40, s18, s11, $0xb8;
	[tilespmem:$0x14500] =	vst v63  }
0x107: {  	_ = 	snop  }
0x108: {  	[tilespmem:s21], [sflag:$0x1] =	stream.indirect.gather [hbm4b:s4+s11], $0x40, s20, s11, $0xb8;
	[tilespmem:$0x14500] =	vst v63  }
0x109: {  	_ = 	snop  }
0x10a: {  	[tilespmem:s23], [sflag:$0x1] =	stream.indirect.gather [hbm4b:s4+s11], $0x40, s22, s11, $0xb8;
	[tilespmem:$0x14500] =	vst v63  }
0x10b: {  	_ = 	snop  }
0x10c: {  	[tilespmem:s25], [sflag:$0x1] =	stream.indirect.gather [hbm4b:s4+s11], $0x40, s24, s11, $0xb8;
	[tilespmem:$0x14500] =	vst v63  }
0x10d: {  	_ = 	snop  }
0x10e: {  	[tilespmem:s28], [sflag:$0x1] =	stream.indirect.gather [hbm4b:s4+s11], $0x40, s26, s11, $0xb8;
	[tilespmem:$0x14500] =	vst v63  }
0x10f: {  	_ = 	snop  }
0x110: {  	[tilespmem:s30], [sflag:$0x1] =	stream.indirect.gather [hbm4b:s4+s11], $0x40, s29, s11, $0xb8;
	[tilespmem:$0x14500] =	vst v63  }
0x111: {  	_ =	swait.ge [sflag:s31], $0x2000  }
0x112: {  	[sflag:s31] =	ssyncset.done $0x0  }
0x113: {  	[sflag:s31] =	ssyncadd.s32 $0xFFFFE000  }
0x114: {  	_ =	swait.ge [sflag:s31], $0x2000  }
0x115: {  	[sflag:s31] =	ssyncset.done $0x0  }
0x116: {  	[sflag:s31] =	ssyncadd.s32 $0xFFFFE000  }
0x117: {  	_ =	swait.ge [sflag:s31], $0x2000  }
0x118: {  	[sflag:s31] =	ssyncset.done $0x0  }
0x119: {  	[sflag:s31] =	ssyncadd.s32 $0xFFFFE000  }
0x11a: {  	_ =	swait.ge [sflag:s31], $0x2000  }
0x11b: {  	[sflag:s31] =	ssyncset.done $0x0  }
0x11c: {  	[sflag:s31] =	ssyncadd.s32 $0xFFFFE000  }
0x11d: {  	_ =	swait.ge [sflag:s31], $0x2000  }
0x11e: {  	[sflag:s31] =	ssyncset.done $0x0  }
0x11f: {  	[sflag:s31] =	ssyncadd.s32 $0xFFFFE000  }
0x120: {  	_ =	swait.ge [sflag:s31], $0x2000  }
0x121: {  	[sflag:s31] =	ssyncset.done $0x0  }
0x122: {  	[sflag:s31] =	ssyncadd.s32 $0xFFFFE000  }
0x123: {  	_ =	swait.ge [sflag:s31], $0x2000  }
0x124: {  	[sflag:s31] =	ssyncset.done $0x0  }
0x125: {  	[sflag:s31] =	ssyncadd.s32 $0xFFFFE000  }
0x126: {  	_ =	swait.ge [sflag:s31], $0x2000  }
0x127: {  	[sflag:s31] =	ssyncset.done $0x0  }
0x128: {  	[sflag:s31] =	ssyncadd.s32 $0xFFFFE000  }
0x129: {  	_ =	swait.ge [sflag:s31], $0x2000  }
0x12a: {  	[sflag:s31] =	ssyncset.done $0x0  }
0x12b: {  	[sflag:s31] =	ssyncadd.s32 $0xFFFFE000  }
0x12c: {  	_ =	swait.ge [sflag:s31], $0x2000  }
.Ltmp3:
0x12d: {  	[sflag:s31] =	ssyncset.done $0x0;
	(pc) =	sbr.rel @p1 .LBB2_6-.Ltmp3, $4  }
0x12e: {  	[sflag:s31] =	ssyncadd.s32 $0xFFFFE000  }
0x12f: {  	[hbm4b:s8+s3] =	stream.linear.scatter [tilespmem:s12], [sflag:$0x2], $0x14000, $0x38;
	[tilespmem:$0x14500] =	vst v63  }
0x130: {  	_ =	swait.ge [sflag:s10], $0x14000  }
0x131: {  	s5 =	smov.u32 s2;
	s8 =	sadd.s32 $0x2800, s8;
	[sflag:s10] =	ssyncset.done $0x0  }
0x132: {  	s2 =	smov.u32 s6;
	s5 =	rddreg [dreg:$0x6]  }
.LBB2_8:
0x133: {  	s0 =	sadd.s32 s2, s9;
	[sflag:s10] =	ssyncadd.s32 @p0 $0xFFFEC000  }
0x134: {  	[tilespmem:s3], [sflag:$0x2] =	stream.linear.gather [hbm4b:s0+s3], $0x500, $0x38;
	[tilespmem:$0x14500] =	vst v63  }
0x135: {  	_ =	swait.ge [sflag:s10], $0x500  }
0x136: {  	[sflag:s10] =	ssyncset.done $0x0  }
0x137: {  	[sflag:s10] =	ssyncadd.s32 $0xFFFFFB00  }
0x138: {  	[tilespmem:s12], [sflag:$0x1] =	stream.indirect.gather [hbm4b:s4+s11], $0x40, s3, s11, $0xb8;
	[tilespmem:$0x14500] =	vst v63  }
0x139: {  	_ = 	snop  }
0x13a: {  	[tilespmem:s13], [sflag:$0x1] =	stream.indirect.gather [hbm4b:s4+s11], $0x40, s11, s11, $0xb8;
	[tilespmem:$0x14500] =	vst v63  }
0x13b: {  	_ = 	snop  }
0x13c: {  	[tilespmem:s15], [sflag:$0x1] =	stream.indirect.gather [hbm4b:s4+s11], $0x40, s14, s11, $0xb8;
	[tilespmem:$0x14500] =	vst v63  }
0x13d: {  	_ = 	snop  }
0x13e: {  	[tilespmem:s17], [sflag:$0x1] =	stream.indirect.gather [hbm4b:s4+s11], $0x40, s16, s11, $0xb8;
	[tilespmem:$0x14500] =	vst v63  }
0x13f: {  	_ = 	snop  }
0x140: {  	[tilespmem:s19], [sflag:$0x1] =	stream.indirect.gather [hbm4b:s4+s11], $0x40, s18, s11, $0xb8;
	[tilespmem:$0x14500] =	vst v63  }
0x141: {  	_ = 	snop  }
0x142: {  	[tilespmem:s21], [sflag:$0x1] =	stream.indirect.gather [hbm4b:s4+s11], $0x40, s20, s11, $0xb8;
	[tilespmem:$0x14500] =	vst v63  }
0x143: {  	_ = 	snop  }
0x144: {  	[tilespmem:s23], [sflag:$0x1] =	stream.indirect.gather [hbm4b:s4+s11], $0x40, s22, s11, $0xb8;
	[tilespmem:$0x14500] =	vst v63  }
0x145: {  	_ = 	snop  }
0x146: {  	[tilespmem:s25], [sflag:$0x1] =	stream.indirect.gather [hbm4b:s4+s11], $0x40, s24, s11, $0xb8;
	[tilespmem:$0x14500] =	vst v63  }
0x147: {  	_ = 	snop  }
0x148: {  	[tilespmem:s28], [sflag:$0x1] =	stream.indirect.gather [hbm4b:s4+s11], $0x40, s26, s11, $0xb8;
	[tilespmem:$0x14500] =	vst v63  }
0x149: {  	_ = 	snop  }
0x14a: {  	[tilespmem:s30], [sflag:$0x1] =	stream.indirect.gather [hbm4b:s4+s11], $0x40, s29, s11, $0xb8;
	[tilespmem:$0x14500] =	vst v63  }
0x14b: {  	_ =	swait.ge [sflag:s31], $0x2000  }
0x14c: {  	[sflag:s31] =	ssyncset.done $0x0  }
0x14d: {  	[sflag:s31] =	ssyncadd.s32 $0xFFFFE000  }
0x14e: {  	_ =	swait.ge [sflag:s31], $0x2000  }
0x14f: {  	[sflag:s31] =	ssyncset.done $0x0  }
0x150: {  	[sflag:s31] =	ssyncadd.s32 $0xFFFFE000  }
0x151: {  	_ =	swait.ge [sflag:s31], $0x2000  }
0x152: {  	[sflag:s31] =	ssyncset.done $0x0  }
0x153: {  	[sflag:s31] =	ssyncadd.s32 $0xFFFFE000  }
0x154: {  	_ =	swait.ge [sflag:s31], $0x2000  }
0x155: {  	[sflag:s31] =	ssyncset.done $0x0  }
0x156: {  	[sflag:s31] =	ssyncadd.s32 $0xFFFFE000  }
0x157: {  	_ =	swait.ge [sflag:s31], $0x2000  }
0x158: {  	[sflag:s31] =	ssyncset.done $0x0  }
0x159: {  	[sflag:s31] =	ssyncadd.s32 $0xFFFFE000  }
0x15a: {  	_ =	swait.ge [sflag:s31], $0x2000  }
0x15b: {  	[sflag:s31] =	ssyncset.done $0x0  }
0x15c: {  	[sflag:s31] =	ssyncadd.s32 $0xFFFFE000  }
0x15d: {  	_ =	swait.ge [sflag:s31], $0x2000  }
0x15e: {  	[sflag:s31] =	ssyncset.done $0x0  }
0x15f: {  	[sflag:s31] =	ssyncadd.s32 $0xFFFFE000  }
0x160: {  	_ =	swait.ge [sflag:s31], $0x2000  }
0x161: {  	[sflag:s31] =	ssyncset.done $0x0  }
0x162: {  	[sflag:s31] =	ssyncadd.s32 $0xFFFFE000  }
0x163: {  	_ =	swait.ge [sflag:s31], $0x2000  }
0x164: {  	[sflag:s31] =	ssyncset.done $0x0  }
0x165: {  	[sflag:s31] =	ssyncadd.s32 $0xFFFFE000  }
0x166: {  	_ =	swait.ge [sflag:s31], $0x2000  }
0x167: {  	[sflag:s31] =	ssyncset.done $0x0  }
0x168: {  	[sflag:s31] =	ssyncadd.s32 $0xFFFFE000  }
0x169: {  	[hbm4b:s8+s3] =	stream.linear.scatter [tilespmem:s12], [sflag:$0x2], $0x14000, $0x38;
	[tilespmem:$0x14500] =	vst v63  }
0x16a: {  	_ =	swait.ge [sflag:s10], $0x14000  }
0x16b: {  	s5 =	sadd.s32 $0x1, s5;
	s8 =	rddreg [dreg:$0x3]  }
0x16c: {  	p0 =	sne.s32 s5, s8  }
.Ltmp4:
0x16d: {  	_ = 	snop;
	(pc) =	sbr.rel @p0 .LBB2_1-.Ltmp4, $4  }
.Ltmp5:
0x16e: {  	_ = 	snop;
	(pc) =	sbr.rel @!p0 .LBB2_9-.Ltmp5, $4  }
0x16f: {  	_ = 	snop  }
0x170: {  	[sflag:s10] =	ssyncset.done $0x0  }
0x171: {  	[sflag:s10] =	ssyncadd.s32 $0xFFFEC000  }
0x172: {  	_ = 	snop  }
.LBB2_5:
.Ltmp6:
0x173: {  	(pc) =	sbr.rel .LBB2_8-.Ltmp6, $2  }
0x174: {  	_ =	sdelay $0x2  }
0x175: {  	s2 =	simm.s32 $0xA0;
	s5 =	rddreg [dreg:$0x6]  }
.LBB2_9:
0x176: {  	_ =	sfence.sel $0x180000  }
0x177: {  	[bflag:$0x0] =	sbarrier.arrive $0xFFFF  }
0x178: {  	_ =	strace $0x90000047  }
0x179: {  	s0 =	stileid.u32;
	[bflag:$0x2] =	sbarrier.arrive $0xFFFF  }
0x17a: {  	p0 =	sne.s32 s0, $0x0;
	s0 =	rddreg [dreg:$0x2]  }
0x17b: {  	s0 =	sadd.s32 @!p0 $0x100000, s0  }
0x17c: {  	[sflag:s0] =	ssyncadd.tile.s32 @!p0 $0x1;
	_ =	shalt  }
.Lfunc_end2:
_tile_overlayer_lowered:
.L_overlay_start_2:
0x17d: {  	(tag) =	ssettag $0x2  }
0x17e: {  	s0 =	rddreg [dreg:$0x0];
	s2 =	stileid.u32  }
0x17f: {  	s1 =	rddreg [dreg:$0x1];
	p0 =	sne.s32 s2, $0x0  }
0x180: {  	s3 =	rddreg [dreg:$0x2];
	[bflag:$0x3] =	sbarrier.arrive $0xFFFF;
	s2 =	simm.s32 @!p0 $0x1C02  }
0x181: {  	[timem:s3], [sflag:s2] =	dma.local @!p0 [hbm:s0], s1  }
0x182: {  	s0 =	simm.s32 @!p0 $0x2  }
0x183: {  	_ =	swait.ge @!p0 [sflag:s0], s1  }
0x184: {  	s1 =	ssub.s32 @!p0 $0x0, s1;
	[sflag:s0] =	ssyncset.done @!p0 $0x0  }
0x185: {  	[sflag:s0] =	ssyncadd.s32 @!p0 s1  }
0x186: {  	[bflag:$0x3] =	sbarrier.arrive $0xFFFF  }
0x187: {  	_ =	shalt  }

// kernel: sparse-core-data-format-call.cloned.1.call-start
scs
called_computation_lowered:
.L_overlay_start_0:
0x0: {  	s2 =	sld [smem:$0x3FD9]  }
0x1: {  	s3 =	sld [smem:$0x3FFE];
	_ =	sdelay $0x1  }
0x2: {  	s1 =	srdreg.scid  }
0x3: {  	s0 =	sand.u32 $0x1, s1  }
0x4: {  	s18 =	sshll.u32 s0, $0xA;
	s2 =	sadd.s32 s3, s2  }
0x5: {  	s2 =	sadd.s32 s2, s18  }
0x6: {  	[smem:$0x3FC3] =	sst s2  }
0x7: {  	_ = 	snop  }
0x8: {  	s2 =	sld [smem:$0x3FD0];
	(tm) =	ssettm $0x1  }
0x9: {  	s19 =	sld [smem:$0x3FFB];
	_ =	sdelay $0x3  }
0xa: {  	_ =	strace s19  }
0xb: {  	s3 =	sld [smem:$0x3FFC];
	_ =	sdelay $0x3  }
0xc: {  	_ =	strace s3  }
0xd: {  	s3 =	sld [smem:$0x3FFD];
	_ =	sdelay $0x3  }
0xe: {  	_ =	strace s3  }
0xf: {  	_ =	strace $0x8FFFFFFF  }
0x10: {  	s20 =	sld [smem:$0x3FDB];
	_ =	sdelay $0x1  }
0x11: {  	s4 =	simm.s32 $_scs_section_size  }
0x12: {  	s5 =	simm.s32 $_size__tile_overlayer_lowered;
	s6 =	simm.s32 $_tile_overlayer_lowered  }
0x13: {  	s23 =	simm.s32 $0x1BFF;
	s22 =	sshll.u32 s6, $0x1;
	s3 =	sadd.s32 s4, s20  }
0x14: {  	s7 =	simm.s32 $0x0;
	s21 =	sshll.u32 s5, $0x1;
	s5 =	sadd.s32 s22, s3  }
0x15: {  	[timem:s7], [sflag:s23] =	dma.local [hbm:s5], s21  }
0x16: {  	_ =	swait.ge [sflag:s23], s21  }
0x17: {  	s4 =	ssub.s32 $0x0, s21;
	[sflag:s23] =	ssyncset.done $0x0  }
0x18: {  	[sflag:s23] =	ssyncadd.s32 s4;
	_ =	sdelay $0x1  }
0x19: {  	s24 =	simm.s32 $0x1B8B  }
0x1a: {  	_ =	swait.ge [sflag:s24], $0x1  }
0x1b: {  	[sflag:s24] =	ssyncset.done $0x0  }
0x1c: {  	s26 =	simm.s32 $0x1B8E;
	s25 =	sld [smem:$0x3FFE];
	[sflag:s24] =	ssyncadd.s32 $0xFFFFFFFF  }
0x1d: {  	s27 =	simm.s32 $execute0_lowered;
	[smem:$0x3FD2] =	sst s26  }
0x1e: {  	s5 =	sshll.u32 s27, $0x1;
	_ =	strace $0x80000049;
	[dreg:$0x1] =	wrdreg $0xFFFFFFFF  }
0x1f: {  	s28 =	simm.s32 $_size_execute0_lowered;
	s3 =	sadd.s32 s3, s5;
	[dreg:$0x0] =	wrdreg $0x0  }
0x20: {  	s5 =	sshll.u32 s28, $0x1;
	[dreg:$0x2] =	wrdreg s3  }
0x21: {  	[dreg:$0x3] =	wrdreg s5  }
0x22: {  	[dreg:$0x4] =	wrdreg $0xC0  }
0x23: {  	_ =	task [dreg:s7], $0x5FFFF  }
0x24: {  	[dreg:$0x1] =	wrdreg $0xFFFFFFFF  }
0x25: {  	[dreg:$0x0] =	wrdreg $0x60  }
0x26: {  	[dreg:$0x2] =	wrdreg s25  }
0x27: {  	[dreg:$0x3] =	wrdreg s2  }
0x28: {  	[dreg:$0x4] =	wrdreg $0x9  }
0x29: {  	_ =	task.clear_ibuf [dreg:s7], $0x5FFFF;
	_ =	strace $0x90000049  }
0x2a: {  	s29 =	simm.s32 $0x9;
	_ =	strace $0x8000004B  }
0x2b: {  	_ =	swait.ge [sflag:s29], $0x1  }
0x2c: {  	[sflag:s29] =	ssyncadd.s32 $0xFFFFFFFF  }
0x2d: {  	_ =	strace $0x9000004B  }
0x2e: {  	_ =	sfence  }
0x2f: {  	s30 =	sld [smem:$0x0];
	_ =	sdelay $0x2  }
0x30: {  	s31 =	sshll.u32 s1, $0xD;
	s1 =	sshrl.u32 s1, $0x2  }
0x31: {  	s3 =	sand.u32 $0x4000, s31;
	s1 =	sadd.s32 s1, s30  }
0x32: {  	s0 =	sor.u32 s3, s0;
	s1 =	sshll.u32 s1, $0x11  }
0x33: {  	s0 =	sor.u32 s1, s0  }
0x34: {  	s0 =	sadd.s32 $0x8F2B, s0  }
0x35: {  	[sflag:s0] =	ssyncadd.remote.s32 $0x1  }
0x36: {  	_ =	sfence.sel $0xFFFF  }
0x37: {  	[dreg:$0x0] =	wrdreg $0xFFFFFFFF;
	(pc) =	sbr.abs _section_cstart, $3  }
0x38: {  	[dreg:$0x1] =	wrdreg $0xFFFFFFFF  }
0x39: {  	_ =	task.clear_ibuf [dreg:s7], $0x2FFFF;
	_ =	strace $0x9FFFFFFF  }
0x3a: {  	(tm) =	ssettm $0x7FFFFFFF  }
0x3b: {  	_ =	shalt  }
tec
execute0_lowered:
.L_overlay_start_1:
0x0: {  	(tag) =	ssettag $0x1  }
0x1: {  	s0 =	stileid.u32;
	s1 =	srdreg.scid  }
0x2: {  	s2 =	sshll.u32 s0, $0x6;
	s1 =	sshll.u32 s1, $0xA  }
0x3: {  	s1 =	sor.u32 s2, s1  }
0x4: {  	s7 =	rddreg [dreg:$0x0];
	s1 =	sand.u32 $0x780, s1  }
0x5: {  	s8 =	simm.s32 $0x2;
	s2 =	sand.u32 $0x1, s0;
	s3 =	ssub.s32 $0x4000, s1  }
0x6: {  	s14 =	simm.s32 $0x0;
	s4 =	ssub.s32 $0x2, s2;
	s5 =	sand.u32 $0x780, s3  }
0x7: {  	s6 =	sshrl.u32 s4, $0x1;
	p0 =	sne.s32 s5, $0x0;
	s5 =	simm.s32 $0x1  }
0x8: {  	s4 =	sand.u32 $0x1, s4;
	s3 =	sshrl.u32 s3, $0xB;
	s5 =	simm.s32 @!p0 $0x0  }
0x9: {  	s9 =	simm.s32 $0x20000;
	s6 =	sadd.s32 s4, s6;
	s3 =	sadd.s32 s5, s3  }
0xa: {  	s15 =	simm.s32 $0x0;
	s16 =	simm.s32 $0x0;
	s6 =	smul.u32 s3, s6  }
.Ltmp0:
0xb: {  	s10 =	simm.s32 $0x0;
	s13 =	simm.s32 $0x0;
	(pc) =	sbr.rel .LBB1_1-.Ltmp0, $4  }
0xc: {  	s7 =	sadd.s32 $0xA00, s7;
	s4 =	rddreg [dreg:$0x1];
	s5 =	simm.s32 $0x1  }
0xd: {  	s3 =	rddreg [dreg:$0x2];
	_ =	strace $0x8000004A;
	s6 =	smul.u32 $0x32, s6  }
0xe: {  	s12 =	smov.u32 s2;
	s11 =	smov.u32 s1;
	[sflag:s5] =	ssyncpa.u1 $0x0  }
0xf: {  	p0 =	por $0x0, $0x0;
	[sflag:s8] =	ssyncpa.u1 $0x0;
	s8 =	sor.u32 $0x1, s6  }
.LBB1_4:
0x10: {  	s16 =	smul.u32 $0x640000, s16  }
0x11: {  	s19 =	sshll.u32 s15, $0x3;
	s20 =	sand.u32 $0x78, s15;
	s30 =	sand.u32 $0x1F800, s15  }
0x12: {  	s14 =	sshll.u32 s14, $0x11;
	s19 =	sand.u32 $0x3C00, s19;
	s16 =	sadd.s32 s4, s16  }
0x13: {  	[tilespmem:s18+$0x810 ss:$0x81] =	vst.msk $0xffff, v2;
	s31 =	sand.u32 $0x7, s15;
	s19 =	sor.u32 s20, s19;
	s16 =	sadd.s32 s30, s16  }
0x14: {  	[tilespmem:s18+$0x1020 ss:$0x81] =	vst.msk $0xffff, v0;
	s15 =	sshll.u32 s31, $0x12;
	s19 =	sshrl.u32 s19, $0x3;
	s14 =	sadd.s32 s14, s16  }
0x15: {  	[tilespmem:s18+$0x0 ss:$0x81] =	vst.msk $0xffff, v1;
	s15 =	sor.u32 $0x400, s15;
	s14 =	sadd.s32 s19, s14  }
0x16: {  	[hbm4b:s14+s15] =	stream.strided.scatter [tilespmem:s17], [sflag:$0x2], $0x2000, s9, s15, $0x20;
	[tilespmem:$0x8080] =	vst v63  }
.LBB1_5:
0x17: {  	s17 =	sadd.s32 $0x1, s10  }
0x18: {  	s14 =	sadd.s32 $0x800, s11;
	s18 =	smov.u32 s11;
	p2 =	sgt.s32 s17, $0x31  }
0x19: {  	s18 =	smov.u32 @p2 s14  }
0x1a: {  	s20 =	smov.u32 s12;
	s14 =	sadd.s32 $0x2, s12;
	p3 =	sgt.s32 s18, $0x3FFF  }
0x1b: {  	s20 =	smov.u32 @p3 s14  }
0x1c: {  	s17 =	simm.s32 @p2 $0x0;
	p2 =	sgt.s32 s20, $0x1  }
0x1d: {  	p1 =	slt.u32 s13, $0x2;
	s20 =	smov.u32 @p2 s2;
	p2 =	sne.s32 s13, s8  }
.Ltmp1:
0x1e: {  	s19 =	simm.s32 @!p1 $0x2;
	(pc) =	sbr.rel @!p2 .LBB1_6-.Ltmp1, $4  }
0x1f: {  	s15 =	smov.u32 s11;
	s16 =	smov.u32 s12;
	_ =	swait.ge @!p1 [sflag:s19], $0x2000  }
0x20: {  	p0 =	por !p0, !p0;
	[sflag:s19] =	ssyncset.done @!p1 $0x0;
	s18 =	smov.u32 @p3 s1  }
0x21: {  	s14 =	smov.u32 s10;
	[sflag:s19] =	ssyncadd.s32 @!p1 $0xFFFFE000;
	s10 =	smov.u32 s17  }
0x22: {  	s11 =	smov.u32 s18;
	s13 =	sadd.s32 $0x1, s13;
	s12 =	smov.u32 s20  }
.LBB1_1:
0x23: {  	p1 =	sge.u32 s13, s6  }
0x24: {  	s17 =	sand.u32 @!p1 $0x1FFFFFF, s10;
	s19 =	smul.u32 @!p1 $0xE00000, s12  }
0x25: {  	s18 =	smulhi.u32 @!p1 $0x4924925, s17  }
0x26: {  	s21 =	smul.u32 @!p1 $0x380, s11  }
0x27: {  	s18 =	smul.u32 @!p1 $0x38, s18  }
0x28: {  	s31 =	sadd.s32 $0xFFFFFFFF, s13;
	s19 =	sadd.s32 @!p1 s7, s19  }
0x29: {  	s20 =	sxor.u32 @!p1 $0xFFFFFFFF, s13;
	s19 =	sadd.s32 @!p1 s21, s19;
	s17 =	ssub.s32 @!p1 s17, s18  }
0x2a: {  	s18 =	sshll.u32 @!p1 s20, $0xD;
	s20 =	simm.s32 @!p1 $0x1C00;
	s17 =	sshll.u32 @!p1 s17, $0x4  }
0x2b: {  	s18 =	sand.u32 @!p1 $0x2000, s18;
	s17 =	sadd.s32 @!p1 s17, s19;
	s19 =	simm.s32 @!p1 $0x40  }
0x2c: {  	[tilespmem:s18], [sflag:$0x1] =	stream.strided.gather @!p1 [hbm4b:s17+s19], $0x2000, s20, s19, $0x38;
	[tilespmem:$0x8080] =	vst v63  }
0x2d: {  	p1 =	sge.u32 s31, s6  }
.Ltmp2:
0x2e: {  	_ = 	snop;
	(pc) =	sbr.rel @p1 .LBB1_5-.Ltmp2, $1  }
0x2f: {  	_ =	sdelay $0x3  }
0x30: {  	s17 =	simm.s32 $0x1  }
0x31: {  	_ =	swait.ge [sflag:s5], $0x2000;
	s17 =	simm.s32 @!p0 $0x0  }
0x32: {  	[sflag:s5] =	ssyncset.done $0x0;
	s18 =	sshll.u32 s17, $0xD  }
0x33: {  	[sflag:s5] =	ssyncadd.s32 $0xFFFFE000;
	s21 =	sor.u32 $0x20, s18  }
0x34: {  	s17 =	smul.u32 $0x8100, s17;
	v3 =	vld [tilespmem:s21+$0x10]  }
0x35: {  	s30 =	sand.u32 $0x1, s13;
	v2 =	vld [tilespmem:s21+$0xFFFFFFF0]  }
0x36: {  	s18 =	smul.u32 $0x8100, s30;
	s17 =	sshrl.u32 s17, $0x2;
	v0 =	vld [tilespmem:s21+$0x0]  }
0x37: {  	v1 =	vld [tilespmem:s21+$0xFFFFFFE0];
	s19 =	sor.u32 $0x4000, s17  }
0x38: {  	s31 =	sshrl.u32 s18, $0x2;
	s18 =	sadd.s32 $0x0, s19  }
0x39: {  	s20 =	simm.s32 $0x4;
	s21 =	sadd.s32 $0x40, s21;
	s17 =	sor.u32 $0x4000, s31;
	[tilespmem:s18+$0x1830 ss:$0x81] =	vst.msk $0xffff, v3  }
.LBB1_3:
0x3a: {  	v3 =	vld [tilespmem:s21+$0x10];
	p1 =	sne.s32 s20, $0x1FC;
	[tilespmem:s18+$0x810 ss:$0x81] =	vst.msk $0xffff, v2;
	s22 =	smov.u32 s20;
	s20 =	sadd.s32 $0x4, s20  }
.Ltmp3:
0x3b: {  	v2 =	vld [tilespmem:s21+$0xFFFFFFF0];
	[tilespmem:s18+$0x1020 ss:$0x81] =	vst.msk $0xffff, v0;
	(pc) =	sbr.rel @p1 .LBB1_3-.Ltmp3, $4  }
0x3c: {  	v0 =	vld [tilespmem:s21+$0x0];
	[tilespmem:s18+$0x0 ss:$0x81] =	vst.msk $0xffff, v1  }
0x3d: {  	s18 =	sshra.s32 s22, $0x2;
	v1 =	vld [tilespmem:s21+$0xFFFFFFE0]  }
0x3e: {  	s18 =	sadd.s32 s18, s19  }
0x3f: {  	s21 =	sadd.s32 $0x40, s21;
	[tilespmem:s18+$0x1830 ss:$0x81] =	vst.msk $0xffff, v3  }
.Ltmp4:
0x40: {  	_ = 	snop;
	(pc) =	sbr.rel .LBB1_4-.Ltmp4, $1  }
0x41: {  	_ =	sdelay $0x3  }
.LBB1_6:
0x42: {  	_ =	sfence.sel $0x180000  }
0x43: {  	s1 =	simm.s32 $0x1;
	[bflag:$0x0] =	sbarrier.arrive $0xFFFF  }
0x44: {  	s31 =	simm.s32 $0x2;
	[sflag:s1] =	ssyncpa.u1 $0x1  }
0x45: {  	[sflag:s31] =	ssyncpa.u1 $0x1  }
0x46: {  	p0 =	sne.s32 s0, $0x0;
	_ =	strace $0x9000004A  }
0x47: {  	s0 =	sadd.s32 @!p0 $0x100000, s3;
	[bflag:$0x2] =	sbarrier.arrive $0xFFFF  }
0x48: {  	[sflag:s0] =	ssyncadd.tile.s32 @!p0 $0x1;
	_ =	shalt  }
.Lfunc_end1:
_tile_overlayer_lowered:
.L_overlay_start_2:
0x49: {  	(tag) =	ssettag $0x2  }
0x4a: {  	s0 =	rddreg [dreg:$0x0];
	s2 =	stileid.u32  }
0x4b: {  	s1 =	rddreg [dreg:$0x1];
	p0 =	sne.s32 s2, $0x0  }
0x4c: {  	s3 =	rddreg [dreg:$0x2];
	[bflag:$0x3] =	sbarrier.arrive $0xFFFF;
	s2 =	simm.s32 @!p0 $0x1C01  }
0x4d: {  	[timem:s3], [sflag:s2] =	dma.local @!p0 [hbm:s0], s1  }
0x4e: {  	s0 =	simm.s32 @!p0 $0x1  }
0x4f: {  	_ =	swait.ge @!p0 [sflag:s0], s1  }
0x50: {  	s1 =	ssub.s32 @!p0 $0x0, s1;
	[sflag:s0] =	ssyncset.done @!p0 $0x0  }
0x51: {  	[sflag:s0] =	ssyncadd.s32 @!p0 s1  }
0x52: {  	[bflag:$0x3] =	sbarrier.arrive $0xFFFF  }
0x53: {  	_ =	shalt  }

</sc_bundles>
